<compile_context>
chip_gen: v7x
topology: tpu7x:2x2x1
jax: 0.10.2.dev20260603
libtpu: 0.0.44.dev20260713+nightly
codegen_flags: <defaults>
</compile_context>

<pallas_src>
import functools

import jax
import jax.numpy as jnp
from jax import lax
from jax.experimental import pallas as pl
from jax.experimental.pallas import tpu as pltpu
from jax.experimental.pallas import tpu_sc as plsc

N0, N1, N2 = 100000, 20000, 2048
N0P = 100352
N1T = 20480
D0, D1 = 16, 16
DIM, OUTC, H = 128, 64, 2
K1SEL = D0 // 2

NC, NS = 2, 16
NW = NC * NS


@functools.lru_cache(maxsize=1)
def _sc_mesh():
    return plsc.VectorSubcoreMesh(core_axis_name="c", subcore_axis_name="s")


def _wid():
    return lax.axis_index("s") * NC + lax.axis_index("c")



def _logits_body(blk, x_ref, wt_ref, b_ref, logit_ref, sig_ref):
    i = pl.program_id(0)
    z = lax.dot_general(wt_ref[...], x_ref[...],
                        (((1,), (1,)), ((), ()))) + b_ref[...]
    logit_ref[:, pl.ds(i * blk, blk)] = z
    sig_ref[:, pl.ds(i * blk, blk)] = jax.nn.sigmoid(z)


def _logits0(x, Wo0, bo0):
    blk = 2048
    grid = (N0P // blk,)
    return pl.pallas_call(
        functools.partial(_logits_body, blk),
        grid=grid,
        in_specs=[
            pl.BlockSpec((blk, DIM), lambda i: (i, 0)),
            pl.BlockSpec((1, DIM), lambda i: (0, 0)),
            pl.BlockSpec((1, 1), lambda i: (0, 0)),
        ],
        out_specs=[
            pl.BlockSpec((1, N0P), lambda i: (0, 0)),
            pl.BlockSpec((1, N0P), lambda i: (0, 0)),
        ],
        out_shape=[
            jax.ShapeDtypeStruct((1, N0P), jnp.float32),
            jax.ShapeDtypeStruct((1, N0P), jnp.float32),
        ],
    )(x, Wo0.reshape(1, DIM), bo0.reshape(1, 1))



def _topk_body(l_hbm, src_hbm, out_hbm, l_v, src_v, sel_v, tmp_v):
    wid = _wid()
    gpw = N1T // NW
    pltpu.sync_copy(l_hbm, l_v)
    pltpu.sync_copy(src_hbm.at[pl.ds(wid * gpw * D0, gpw * D0)], src_v)

    eight = jnp.full((16,), K1SEL, jnp.int32)
    seven = jnp.full((16,), K1SEL - 1, jnp.int32)
    lanes = lax.iota(jnp.int32, 16)

    def body(g, carry):
        idx = src_v[pl.ds(g * D0, 16)]
        row = plsc.load_gather(l_v, [idx])
        d = wid * gpw + g
        col = plsc.load_gather(l_v, [jnp.full((16,), d, jnp.int32)])
        sim = 1.0 - jnp.abs(row - col)
        skeys, _vals = plsc.sort_key_val(sim, lanes, descending=True)
        tmp_v[...] = skeys
        t = plsc.load_gather(tmp_v, [seven])
        gt = sim > t
        n_gt = plsc.all_reduce_population_count(gt)
        eq = sim == t
        csum = lax.cumsum(jnp.where(eq, 1, 0), axis=0)
        sel = jnp.logical_or(gt, jnp.logical_and(eq, csum <= (eight - n_gt)))
        plsc.store_compressed(sel_v.at[pl.ds(g * K1SEL, 16)], idx, mask=sel)
        return carry

    lax.fori_loop(0, gpw, body, 0)
    opw = gpw * K1SEL
    pltpu.sync_copy(sel_v.at[pl.ds(0, opw)], out_hbm.at[pl.ds(wid * opw, opw)])


def _topk_select(l, src0):
    gpw = N1T // NW
    f = pl.kernel(
        _topk_body,
        mesh=_sc_mesh(),
        compiler_params=pltpu.CompilerParams(needs_layout_passes=False),
        out_type=jax.ShapeDtypeStruct((N1T * K1SEL,), jnp.int32),
        scratch_types=[
            pltpu.VMEM((N0P,), jnp.float32),
            pltpu.VMEM((gpw * D0,), jnp.int32),
            pltpu.VMEM((gpw * K1SEL + 16,), jnp.int32),
            pltpu.VMEM((16,), jnp.float32),
        ],
    )
    return f(l, src0)



def _make_gather(n_idx, chunk):
    bpw = n_idx // NW
    nch = bpw // chunk
    assert bpw % chunk == 0 and chunk % 8 == 0

    def body(table_hbm, idx_hbm, out_hbm, idx_v, rows_a, rows_b, sem_a, sem_b):
        wid = _wid()
        base = wid * bpw
        pltpu.sync_copy(idx_hbm.at[pl.ds(base, bpw)], idx_v)

        def gather(c, buf, sem):
            pltpu.async_copy(
                table_hbm.at[idx_v.at[pl.ds(c * chunk, chunk)]], buf, sem)

        def gwait(c, buf, sem):
            pltpu.make_async_copy(
                table_hbm.at[idx_v.at[pl.ds(c * chunk, chunk)]], buf, sem
            ).wait()

        gather(0, rows_a, sem_a)

        def step(c, carry):
            even = (c % 2) == 0

            @pl.when(jnp.logical_and(c + 1 < nch, even))
            def _pf_b():
                gather(c + 1, rows_b, sem_b)

            @pl.when(jnp.logical_and(c + 1 < nch, jnp.logical_not(even)))
            def _pf_a():
                gather(c + 1, rows_a, sem_a)

            @pl.when(even)
            def _drain_a():
                gwait(c, rows_a, sem_a)
                pltpu.sync_copy(
                    rows_a, out_hbm.at[pl.ds(base + c * chunk, chunk), :])

            @pl.when(jnp.logical_not(even))
            def _drain_b():
                gwait(c, rows_b, sem_b)
                pltpu.sync_copy(
                    rows_b, out_hbm.at[pl.ds(base + c * chunk, chunk), :])
            return carry

        lax.fori_loop(0, nch, step, 0)

    def run(table, idx):
        f = pl.kernel(
            body,
            mesh=_sc_mesh(),
            compiler_params=pltpu.CompilerParams(needs_layout_passes=False),
            out_type=jax.ShapeDtypeStruct((n_idx, DIM), jnp.float32),
            scratch_types=[
                pltpu.VMEM((bpw,), jnp.int32),
                pltpu.VMEM((chunk, DIM), jnp.float32),
                pltpu.VMEM((chunk, DIM), jnp.float32),
                pltpu.SemaphoreType.DMA,
                pltpu.SemaphoreType.DMA,
            ],
        )
        return f(table, idx)

    return run


_gather_l1 = _make_gather(N1T * K1SEL, 320)
_gather_l2 = _make_gather(N2 * D1, 256)



def _attn_body(deg, xd_ref, rows_ref, bsel_ref, csel_ref, wq_ref, wk_ref,
               wv_ref, ws_ref, bq_ref, bv_ref, bs_ref, bng_ref, bnb_ref,
               bnm_ref, bnv_ref, wo_ref, bo_ref, feat_ref, logit_ref):
    xd = xd_ref[...]
    bd = xd.shape[0]
    nsc = 2 * deg
    q = xd @ wq_ref[...] + bq_ref[...]
    rows = rows_ref[...]
    rows_flat = rows.reshape(deg * bd, DIM)
    kk = (rows_flat @ wk_ref[...]).reshape(deg, bd, DIM)
    vv = (rows_flat @ wv_ref[...]).reshape(deg, bd, DIM)
    p3 = kk * q[None]
    bsel = bsel_ref[...]
    csel = csel_ref[...]
    s01 = p3[0] @ bsel[:, :nsc]
    for e in range(1, deg):
        s01 = s01 + p3[e] @ bsel[:, e * nsc:(e + 1) * nsc]
    m0 = s01[:, :deg].max(axis=-1, keepdims=True)
    m1 = s01[:, deg:].max(axis=-1, keepdims=True)
    mC = jnp.concatenate([jnp.broadcast_to(m0, (bd, deg)),
                          jnp.broadcast_to(m1, (bd, deg))], axis=-1)
    ex = jnp.exp(s01 - mC)
    d0 = ex[:, :deg].sum(axis=-1, keepdims=True)
    d1 = ex[:, deg:].sum(axis=-1, keepdims=True)
    dC = jnp.concatenate([jnp.broadcast_to(d0, (bd, deg)),
                          jnp.broadcast_to(d1, (bd, deg))], axis=-1)
    alpha = ex / (dC + 1e-16)
    out = bv_ref[...] + xd @ ws_ref[...] + bs_ref[...]
    for e in range(deg):
        alphaE = alpha @ csel[:, e * DIM:(e + 1) * DIM]
        out = out + alphaE * vv[e]
    rstd = lax.rsqrt(bnv_ref[...] + 1e-5)
    z = (out - bnm_ref[...]) * rstd
    z = z * bng_ref[...] + bnb_ref[...]
    sp = jnp.maximum(z, 0.0) + jnp.log1p(jnp.exp(-jnp.abs(z)))
    feat = z * jnp.tanh(sp)
    feat_ref[...] = feat
    logit_ref[:, pl.ds(pl.program_id(0) * bd, bd)] = lax.dot_general(
        wo_ref[...], feat, (((1,), (1,)), ((), ()))) + bo_ref[...]


@functools.lru_cache(maxsize=4)
def _sel_consts(deg):
    import numpy as np
    nsc = 2 * deg
    inv_sqrt = 1.0 / float(np.sqrt(OUTC))
    B = np.zeros((DIM, deg, nsc), dtype=np.float32)
    C = np.zeros((nsc, deg, DIM), dtype=np.float32)
    for e in range(deg):
        for h in range(H):
            B[h * OUTC:(h + 1) * OUTC, e, h * deg + e] = inv_sqrt
            C[h * deg + e, e, h * OUTC:(h + 1) * OUTC] = 1.0
    return (jnp.asarray(B.reshape(DIM, deg * nsc)),
            jnp.asarray(C.reshape(nsc, deg * DIM)))


def _attn_layer(n_dst, n_dst_pad, deg, blk, x_dst_src, rows_t, Wq, Wk, Wv,
                Ws, bq, bv, bs, bng, bnb, bnm, bnv, Wo, bo):
    nblk = n_dst_pad // blk
    grid = (nblk,)
    nsc = 2 * deg
    bsel, csel = _sel_consts(deg)
    wspec = pl.BlockSpec((DIM, DIM), lambda i: (0, 0))
    bspec = pl.BlockSpec((1, DIM), lambda i: (0, 0))
    return pl.pallas_call(
        functools.partial(_attn_body, deg),
        grid=grid,
        in_specs=[
            pl.BlockSpec((blk, DIM), lambda i: (i, 0)),
            pl.BlockSpec((deg, blk, DIM), lambda i: (0, i, 0)),
            pl.BlockSpec((DIM, deg * nsc), lambda i: (0, 0)),
            pl.BlockSpec((nsc, deg * DIM), lambda i: (0, 0)),
            wspec, wspec, wspec, wspec,
            bspec, bspec, bspec, bspec, bspec, bspec, bspec,
            pl.BlockSpec((1, DIM), lambda i: (0, 0)),
            pl.BlockSpec((1, 1), lambda i: (0, 0)),
        ],
        out_specs=[
            pl.BlockSpec((blk, DIM), lambda i: (i, 0)),
            pl.BlockSpec((1, n_dst_pad), lambda i: (0, 0)),
        ],
        out_shape=[
            jax.ShapeDtypeStruct((n_dst, DIM), jnp.float32),
            jax.ShapeDtypeStruct((1, n_dst_pad), jnp.float32),
        ],
    )(x_dst_src, rows_t, bsel, csel, Wq, Wk, Wv, Ws,
      bq.reshape(1, DIM), bv.reshape(1, DIM), bs.reshape(1, DIM),
      bng.reshape(1, DIM), bnb.reshape(1, DIM), bnm.reshape(1, DIM),
      bnv.reshape(1, DIM), Wo.reshape(1, DIM), bo.reshape(1, 1))


def kernel(x, edge_index_0, edge_index_1, Wq, bq, Wk, bk, Wv, bv, Ws, bs,
           bn_g, bn_b, bn_m, bn_v, Wo, bo):
    pad_idx = jnp.arange(N1 * D0, N1T * D0, dtype=jnp.int32) % N0
    src0 = jnp.concatenate([edge_index_0[0], pad_idx])
    src1_t = edge_index_1[0].reshape(N2, D1).T.reshape(-1)

    logits0, l = _logits0(x, Wo[0], bo[0])
    t0 = logits0[0, :N2].reshape(N2, 1)

    sel_src = _topk_select(l.reshape(-1), src0)
    sel_t = sel_src.reshape(N1T, K1SEL).T.reshape(-1)
    rows1 = _gather_l1(x, sel_t).reshape(K1SEL, N1T, DIM)

    feat1, logits1 = _attn_layer(
        N1, N1T, K1SEL, 512, x, rows1, Wq[0], Wk[0], Wv[0], Ws[0],
        bq[0], bv[0], bs[0], bn_g[0], bn_b[0], bn_m[0], bn_v[0], Wo[1], bo[1])
    t1 = logits1[0, :N2].reshape(N2, 1)

    rows2 = _gather_l2(feat1, src1_t).reshape(D1, N2, DIM)
    _feat2, logits2 = _attn_layer(
        N2, N2, D1, 256, feat1, rows2, Wq[1], Wk[1], Wv[1], Ws[1],
        bq[1], bv[1], bs[1], bn_g[1], bn_b[1], bn_m[1], bn_v[1], Wo[2], bo[2])
    return (t0, t1, logits2[0].reshape(N2, 1))

# --- scband reference (transcript-rebuilt; emitter-appended) ---
"""Pipeline reference for scband-gnnselector-63247688401688 (READ-ONLY COPY).

The authoritative reference and input builder live on the scoring server;
editing this copy changes nothing except your own understanding.
"""

import jax, jax.numpy as jnp
import numpy as np

N0, N1, N2 = 100000, 20000, 2048
D0, D1 = 16, 16
DIM, OUTC, H = 128, 64, 2

def mish(x):
    return x * jnp.tanh(jax.nn.softplus(x))

def bnorm(x, g, b, m, v, eps=1e-5):
    return (x - m) / jnp.sqrt(v + eps) * g + b

def label_pool(logits, edge_index, ratio, deg):
    l = jax.nn.sigmoid(logits).flatten()
    row = l[edge_index[0]]
    col = l[edge_index[1]]
    sim = 1.0 - jnp.abs(row - col)
    n_dst = edge_index.shape[1] // deg
    k = int(deg * ratio)
    simr = sim.reshape(n_dst, deg)
    _, idx = jax.lax.top_k(simr, k)
    ei = edge_index.reshape(2, n_dst, deg)
    idxb = jnp.broadcast_to(idx[None, :, :], (2, n_dst, k))
    new = jnp.take_along_axis(ei, idxb, axis=2)
    return new.reshape(2, n_dst * k)

def tconv(x_src, x_dst, edge_index, Wq, bq, Wk, bk, Wv, bv, Ws, bs):
    n_dst = x_dst.shape[0]
    q = (x_dst @ Wq + bq).reshape(n_dst, H, OUTC)
    kk = (x_src @ Wk + bk).reshape(-1, H, OUTC)
    vv = (x_src @ Wv + bv).reshape(-1, H, OUTC)
    src, dst = edge_index[0], edge_index[1]
    score = (q[dst] * kk[src]).sum(-1) / jnp.sqrt(float(OUTC))
    smax = jax.lax.stop_gradient(jax.ops.segment_max(score, dst, num_segments=n_dst))
    ex = jnp.exp(score - smax[dst])
    den = jax.ops.segment_sum(ex, dst, num_segments=n_dst)
    alpha = ex / (den[dst] + 1e-16)
    out = jax.ops.segment_sum(alpha[:, :, None] * vv[src], dst, num_segments=n_dst)
    return out.reshape(n_dst, H * OUTC) + x_dst @ Ws + bs

def _forward(x, ei_list, Wq, bq, Wk, bk, Wv, bv, Ws, bs, bn_g, bn_b, bn_m, bn_v, Wo, bo):
    sizes = [N1, N2]
    ratios = [0.5, 1.0]
    degs = [D0, D1]
    targets = []
    feat = x
    logits = feat @ Wo[0] + bo[0]
    targets.append(logits[:N2])
    for i in range(2):
        new_edge = label_pool(logits, ei_list[i], ratios[i], degs[i])
        x_t = feat[:sizes[i]]
        feat = tconv(feat, x_t, new_edge, Wq[i], bq[i], Wk[i], bk[i], Wv[i], bv[i], Ws[i], bs[i])
        feat = mish(bnorm(feat, bn_g[i], bn_b[i], bn_m[i], bn_v[i]))
        logits = feat @ Wo[i + 1] + bo[i + 1]
        targets.append(logits[:N2])
    return tuple(targets)

def setup_inputs(seed: int = 0):
    key = jax.random.key(seed)
    def nrm(i, shape, s=0.05):
        return jax.random.normal(jax.random.fold_in(key, i), shape, dtype=jnp.float32) * s
    x = nrm(0, (N0, DIM), 1.0)
    src0 = jax.random.randint(jax.random.fold_in(key, 1), (N1 * D0,), 0, N0)
    dst0 = jnp.repeat(jnp.arange(N1), D0)
    src1 = jax.random.randint(jax.random.fold_in(key, 2), (N2 * D1,), 0, N1)
    dst1 = jnp.repeat(jnp.arange(N2), D1)
    return {
        "x": x,
        "edge_index_0": jnp.stack([src0, dst0]),
        "edge_index_1": jnp.stack([src1, dst1]),
        "Wq": nrm(3, (2, DIM, H * OUTC)),
        "bq": nrm(4, (2, H * OUTC)),
        "Wk": nrm(5, (2, DIM, H * OUTC)),
        "bk": nrm(6, (2, H * OUTC)),
        "Wv": nrm(7, (2, DIM, H * OUTC)),
        "bv": nrm(8, (2, H * OUTC)),
        "Ws": nrm(9, (2, DIM, H * OUTC)),
        "bs": nrm(10, (2, H * OUTC)),
        "bn_g": jnp.ones((2, DIM), dtype=jnp.float32),
        "bn_b": jnp.zeros((2, DIM), dtype=jnp.float32),
        "bn_m": jnp.zeros((2, DIM), dtype=jnp.float32),
        "bn_v": jnp.ones((2, DIM), dtype=jnp.float32),
        "Wo": nrm(11, (3, DIM, 1)),
        "bo": nrm(12, (3, 1)),
    }

def reference(x, edge_index_0, edge_index_1, Wq, bq, Wk, bk, Wv, bv, Ws, bs, bn_g, bn_b, bn_m, bn_v, Wo, bo):
    return _forward(x, (edge_index_0, edge_index_1), Wq, bq, Wk, bk, Wv, bv, Ws, bs, bn_g, bn_b, bn_m, bn_v, Wo, bo)

if __name__ == "__main__":
    import jax
    _d = setup_inputs()
    print(jax.jit(kernel)(*tuple(_d.values())))

</pallas_src>

<mosaic_0001>
#map = affine_map<(d0, d1) -> (0, 0)>
#map1 = affine_map<(d0, d1) -> (0)>
module attributes {stable_mosaic.version = 14 : i64} {
  func.func @body(%arg0: i32, %arg1: i32, %arg2: memref<100000x128xf32, #tpu.memory_space<hbm>>, %arg3: memref<163840xi32, #tpu.memory_space<hbm>>, %arg4: memref<163840x128xf32, #tpu.memory_space<hbm>>, %arg5: memref<5120xi32, #tpu.memory_space<vmem>>, %arg6: memref<320x128xf32, #tpu.memory_space<vmem>>, %arg7: memref<320x128xf32, #tpu.memory_space<vmem>>, %arg8: memref<!tpu.dma_semaphore, #tpu.memory_space<semaphore_mem>>, %arg9: memref<!tpu.dma_semaphore, #tpu.memory_space<semaphore_mem>>) attributes {dimension_semantics = [#tpu.dimension_semantics<core_parallel>, #tpu.dimension_semantics<subcore_parallel>], iteration_bounds = array<i64: 2, 16>, scalar_prefetch = 0 : i64, scratch_operands = 5 : i64, tpu.core_type = #tpu.core_type<sc_vector_subcore>, window_params = [{transform_indices = #map}, {transform_indices = #map1}, {transform_indices = #map}]} {
    %mul3A = arith.constant 2 : i32
    %mul3A_0 = arith.muli %arg1, %mul3A : i32
    %add3A = arith.addi %mul3A_0, %arg0 : i32
    %mul3A_1 = arith.constant 5120 : i32
    %mul3A_2 = arith.muli %add3A, %mul3A_1 : i32
    "tpu.region"() ({
      %run_scoped3A = tpu.sem_alloc : memref<!tpu.dma_semaphore, #tpu.memory_space<semaphore_mem>>
      %dma_start3A_12 = tpu.memref_slice %arg3[%mul3A_2] : memref<163840xi32, #tpu.memory_space<hbm>> -> memref<5120xi32, #tpu.memory_space<hbm>>
      %dma_start3A_13 = tpu.memref_slice %arg3[%mul3A_2] : memref<163840xi32, #tpu.memory_space<hbm>> -> memref<5120xi32, #tpu.memory_space<hbm>>
      tpu.enqueue_dma source(%dma_start3A_13 : memref<5120xi32, #tpu.memory_space<hbm>>) target(%arg5 : memref<5120xi32, #tpu.memory_space<vmem>>) target_semaphore(%run_scoped3A : memref<!tpu.dma_semaphore, #tpu.memory_space<semaphore_mem>>)
      %dma_wait3A = tpu.memref_slice %arg3[%mul3A_2] : memref<163840xi32, #tpu.memory_space<hbm>> -> memref<5120xi32, #tpu.memory_space<hbm>>
      %dma_wait3A_14 = tpu.memref_slice %arg3[%mul3A_2] : memref<163840xi32, #tpu.memory_space<hbm>> -> memref<5120xi32, #tpu.memory_space<hbm>>
      tpu.wait_dma2 semaphore(%run_scoped3A : memref<!tpu.dma_semaphore, #tpu.memory_space<semaphore_mem>>) src(%dma_wait3A_14 : memref<5120xi32, #tpu.memory_space<hbm>>) dst(%arg5 : memref<5120xi32, #tpu.memory_space<vmem>>)
      tpu.yield
    }) : () -> ()
    %dma_start3A = arith.constant 0 : i32
    %dma_start3A_3 = tpu.memref_slice %arg5[%dma_start3A] : memref<5120xi32, #tpu.memory_space<vmem>> -> memref<320xi32, #tpu.memory_space<vmem>>
    %dma_start3A_4 = arith.constant 0 : i32
    %dma_start3A_5 = arith.constant 0 : i32
    %dma_start3A_6 = tpu.memref_slice %arg2[%dma_start3A_4, %dma_start3A_5] : memref<100000x128xf32, #tpu.memory_space<hbm>> -> memref<100000x128xf32, #tpu.memory_space<hbm>>
    tpu.enqueue_indirect_dma source(%dma_start3A_6 : memref<100000x128xf32, #tpu.memory_space<hbm>>) target(%arg6 : memref<320x128xf32, #tpu.memory_space<vmem>>) offsets(%dma_start3A_3 : memref<320xi32, #tpu.memory_space<vmem>>) semaphore(%arg8 : memref<!tpu.dma_semaphore, #tpu.memory_space<semaphore_mem>>)
    %scan3A = arith.constant 0 : i32
    %scan3A_7 = arith.constant 0 : i32
    %scan3A_8 = arith.constant 16 : i32
    %scan3A_9 = arith.addi %scan3A_7, %scan3A_8 : i32
    %scan3A_10 = arith.constant 1 : i32
    scf.for %scan3A_12 = %scan3A_7 to %scan3A_9 step %scan3A_10  : i32 {
      %jit3A = arith.constant 2 : i32
      %eq3A = arith.constant 0 : i32
      %eq3A_13 = arith.cmpi eq, %jit3A, %eq3A : i32
      %jit3A_14 = arith.constant 1 : i32
      %select_n3A = arith.select %eq3A_13, %jit3A_14, %jit3A : i32
      %rem3A = arith.remsi %scan3A_12, %select_n3A : i32
      %ne3A = arith.constant 0 : i32
      %ne3A_15 = arith.cmpi ne, %rem3A, %ne3A : i32
      %lt3A = arith.constant 0 : i32
      %lt3A_16 = arith.cmpi slt, %rem3A, %lt3A : i32
      %lt3A_17 = arith.constant 0 : i32
      %lt3A_18 = arith.cmpi slt, %select_n3A, %lt3A_17 : i32
      %ne3A_19 = arith.xori %lt3A_16, %lt3A_18 : i1
      %and3A = arith.andi %ne3A_19, %ne3A_15 : i1
      %add3A_20 = arith.addi %rem3A, %select_n3A : i32
      %select_n3A_21 = arith.select %and3A, %add3A_20, %rem3A : i32
      %eq3A_22 = arith.constant 0 : i32
      %eq3A_23 = arith.cmpi eq, %select_n3A_21, %eq3A_22 : i32
      %add3A_24 = arith.constant 1 : i32
      %add3A_25 = arith.addi %scan3A_12, %add3A_24 : i32
      %lt3A_26 = arith.constant 16 : i32
      %lt3A_27 = arith.cmpi slt, %add3A_25, %lt3A_26 : i32
      %and3A_28 = arith.andi %lt3A_27, %eq3A_23 : i1
      %convert_element_type3A = arith.extui %and3A_28 : i1 to i32
      %cond3A = arith.constant 0 : i32
      %cond3A_29 = arith.cmpi ne, %convert_element_type3A, %cond3A : i32
      scf.if %cond3A_29 {
        %add3A_47 = arith.constant 1 : i32
        %add3A_48 = arith.addi %scan3A_12, %add3A_47 : i32
        %mul3A_49 = arith.constant 320 : i32
        %mul3A_50 = arith.muli %add3A_48, %mul3A_49 : i32
        %dma_start3A_51 = tpu.memref_slice %arg5[%mul3A_50] : memref<5120xi32, #tpu.memory_space<vmem>> -> memref<320xi32, #tpu.memory_space<vmem>>
        %dma_start3A_52 = arith.constant 0 : i32
        %dma_start3A_53 = arith.constant 0 : i32
        %dma_start3A_54 = tpu.memref_slice %arg2[%dma_start3A_52, %dma_start3A_53] : memref<100000x128xf32, #tpu.memory_space<hbm>> -> memref<100000x128xf32, #tpu.memory_space<hbm>>
        tpu.enqueue_indirect_dma source(%dma_start3A_54 : memref<100000x128xf32, #tpu.memory_space<hbm>>) target(%arg7 : memref<320x128xf32, #tpu.memory_space<vmem>>) offsets(%dma_start3A_51 : memref<320xi32, #tpu.memory_space<vmem>>) semaphore(%arg9 : memref<!tpu.dma_semaphore, #tpu.memory_space<semaphore_mem>>)
      } else {
      }
      %add3A_30 = arith.constant 1 : i32
      %add3A_31 = arith.addi %scan3A_12, %add3A_30 : i32
      %lt3A_32 = arith.constant 16 : i32
      %lt3A_33 = arith.cmpi slt, %add3A_31, %lt3A_32 : i32
      %not3A = arith.constant true
      %not3A_34 = arith.xori %eq3A_23, %not3A : i1
      %and3A_35 = arith.andi %lt3A_33, %not3A_34 : i1
      %convert_element_type3A_36 = arith.extui %and3A_35 : i1 to i32
      %cond3A_37 = arith.constant 0 : i32
      %cond3A_38 = arith.cmpi ne, %convert_element_type3A_36, %cond3A_37 : i32
      scf.if %cond3A_38 {
        %add3A_47 = arith.constant 1 : i32
        %add3A_48 = arith.addi %scan3A_12, %add3A_47 : i32
        %mul3A_49 = arith.constant 320 : i32
        %mul3A_50 = arith.muli %add3A_48, %mul3A_49 : i32
        %dma_start3A_51 = tpu.memref_slice %arg5[%mul3A_50] : memref<5120xi32, #tpu.memory_space<vmem>> -> memref<320xi32, #tpu.memory_space<vmem>>
        %dma_start3A_52 = arith.constant 0 : i32
        %dma_start3A_53 = arith.constant 0 : i32
        %dma_start3A_54 = tpu.memref_slice %arg2[%dma_start3A_52, %dma_start3A_53] : memref<100000x128xf32, #tpu.memory_space<hbm>> -> memref<100000x128xf32, #tpu.memory_space<hbm>>
        tpu.enqueue_indirect_dma source(%dma_start3A_54 : memref<100000x128xf32, #tpu.memory_space<hbm>>) target(%arg6 : memref<320x128xf32, #tpu.memory_space<vmem>>) offsets(%dma_start3A_51 : memref<320xi32, #tpu.memory_space<vmem>>) semaphore(%arg8 : memref<!tpu.dma_semaphore, #tpu.memory_space<semaphore_mem>>)
      } else {
      }
      %convert_element_type3A_39 = arith.extui %eq3A_23 : i1 to i32
      %cond3A_40 = arith.constant 0 : i32
      %cond3A_41 = arith.cmpi ne, %convert_element_type3A_39, %cond3A_40 : i32
      scf.if %cond3A_41 {
        %mul3A_47 = arith.constant 320 : i32
        %mul3A_48 = arith.muli %scan3A_12, %mul3A_47 : i32
        %dma_wait3A = tpu.memref_slice %arg5[%mul3A_48] : memref<5120xi32, #tpu.memory_space<vmem>> -> memref<320xi32, #tpu.memory_space<vmem>>
        %dma_wait3A_49 = arith.constant 0 : i32
        %dma_wait3A_50 = arith.constant 0 : i32
        %dma_wait3A_51 = tpu.memref_slice %arg2[%dma_wait3A_49, %dma_wait3A_50] : memref<100000x128xf32, #tpu.memory_space<hbm>> -> memref<100000x128xf32, #tpu.memory_space<hbm>>
        tpu.wait_indirect_dma semaphore(%arg8 : memref<!tpu.dma_semaphore, #tpu.memory_space<semaphore_mem>>) src(%dma_wait3A_51 : memref<100000x128xf32, #tpu.memory_space<hbm>>) dst(%arg6 : memref<320x128xf32, #tpu.memory_space<vmem>>)
        %mul3A_52 = arith.constant 320 : i32
        %mul3A_53 = arith.muli %scan3A_12, %mul3A_52 : i32
        %add3A_54 = arith.addi %mul3A_2, %mul3A_53 : i32
        "tpu.region"() ({
          %run_scoped3A = tpu.sem_alloc : memref<!tpu.dma_semaphore, #tpu.memory_space<semaphore_mem>>
          %dma_start3A_55 = arith.constant 0 : i32
          %dma_start3A_56 = tpu.memref_slice %arg4[%add3A_54, %dma_start3A_55] : memref<163840x128xf32, #tpu.memory_space<hbm>> -> memref<320x128xf32, #tpu.memory_space<hbm>>
          %dma_start3A_57 = arith.constant 0 : i32
          %dma_start3A_58 = tpu.memref_slice %arg4[%add3A_54, %dma_start3A_57] : memref<163840x128xf32, #tpu.memory_space<hbm>> -> memref<320x128xf32, #tpu.memory_space<hbm>>
          tpu.enqueue_dma source(%arg6 : memref<320x128xf32, #tpu.memory_space<vmem>>) target(%dma_start3A_58 : memref<320x128xf32, #tpu.memory_space<hbm>>) target_semaphore(%run_scoped3A : memref<!tpu.dma_semaphore, #tpu.memory_space<semaphore_mem>>)
          %dma_wait3A_59 = arith.constant 0 : i32
          %dma_wait3A_60 = tpu.memref_slice %arg4[%add3A_54, %dma_wait3A_59] : memref<163840x128xf32, #tpu.memory_space<hbm>> -> memref<320x128xf32, #tpu.memory_space<hbm>>
          %dma_wait3A_61 = arith.constant 0 : i32
          %dma_wait3A_62 = tpu.memref_slice %arg4[%add3A_54, %dma_wait3A_61] : memref<163840x128xf32, #tpu.memory_space<hbm>> -> memref<320x128xf32, #tpu.memory_space<hbm>>
          tpu.wait_dma2 semaphore(%run_scoped3A : memref<!tpu.dma_semaphore, #tpu.memory_space<semaphore_mem>>) src(%arg6 : memref<320x128xf32, #tpu.memory_space<vmem>>) dst(%dma_wait3A_62 : memref<320x128xf32, #tpu.memory_space<hbm>>)
          tpu.yield
        }) : () -> ()
      } else {
      }
      %not3A_42 = arith.constant true
      %not3A_43 = arith.xori %eq3A_23, %not3A_42 : i1
      %convert_element_type3A_44 = arith.extui %not3A_43 : i1 to i32
      %cond3A_45 = arith.constant 0 : i32
      %cond3A_46 = arith.cmpi ne, %convert_element_type3A_44, %cond3A_45 : i32
      scf.if %cond3A_46 {
        %mul3A_47 = arith.constant 320 : i32
        %mul3A_48 = arith.muli %scan3A_12, %mul3A_47 : i32
        %dma_wait3A = tpu.memref_slice %arg5[%mul3A_48] : memref<5120xi32, #tpu.memory_space<vmem>> -> memref<320xi32, #tpu.memory_space<vmem>>
        %dma_wait3A_49 = arith.constant 0 : i32
        %dma_wait3A_50 = arith.constant 0 : i32
        %dma_wait3A_51 = tpu.memref_slice %arg2[%dma_wait3A_49, %dma_wait3A_50] : memref<100000x128xf32, #tpu.memory_space<hbm>> -> memref<100000x128xf32, #tpu.memory_space<hbm>>
        tpu.wait_indirect_dma semaphore(%arg9 : memref<!tpu.dma_semaphore, #tpu.memory_space<semaphore_mem>>) src(%dma_wait3A_51 : memref<100000x128xf32, #tpu.memory_space<hbm>>) dst(%arg7 : memref<320x128xf32, #tpu.memory_space<vmem>>)
        %mul3A_52 = arith.constant 320 : i32
        %mul3A_53 = arith.muli %scan3A_12, %mul3A_52 : i32
        %add3A_54 = arith.addi %mul3A_2, %mul3A_53 : i32
        "tpu.region"() ({
          %run_scoped3A = tpu.sem_alloc : memref<!tpu.dma_semaphore, #tpu.memory_space<semaphore_mem>>
          %dma_start3A_55 = arith.constant 0 : i32
          %dma_start3A_56 = tpu.memref_slice %arg4[%add3A_54, %dma_start3A_55] : memref<163840x128xf32, #tpu.memory_space<hbm>> -> memref<320x128xf32, #tpu.memory_space<hbm>>
          %dma_start3A_57 = arith.constant 0 : i32
          %dma_start3A_58 = tpu.memref_slice %arg4[%add3A_54, %dma_start3A_57] : memref<163840x128xf32, #tpu.memory_space<hbm>> -> memref<320x128xf32, #tpu.memory_space<hbm>>
          tpu.enqueue_dma source(%arg7 : memref<320x128xf32, #tpu.memory_space<vmem>>) target(%dma_start3A_58 : memref<320x128xf32, #tpu.memory_space<hbm>>) target_semaphore(%run_scoped3A : memref<!tpu.dma_semaphore, #tpu.memory_space<semaphore_mem>>)
          %dma_wait3A_59 = arith.constant 0 : i32
          %dma_wait3A_60 = tpu.memref_slice %arg4[%add3A_54, %dma_wait3A_59] : memref<163840x128xf32, #tpu.memory_space<hbm>> -> memref<320x128xf32, #tpu.memory_space<hbm>>
          %dma_wait3A_61 = arith.constant 0 : i32
          %dma_wait3A_62 = tpu.memref_slice %arg4[%add3A_54, %dma_wait3A_61] : memref<163840x128xf32, #tpu.memory_space<hbm>> -> memref<320x128xf32, #tpu.memory_space<hbm>>
          tpu.wait_dma2 semaphore(%run_scoped3A : memref<!tpu.dma_semaphore, #tpu.memory_space<semaphore_mem>>) src(%arg7 : memref<320x128xf32, #tpu.memory_space<vmem>>) dst(%dma_wait3A_62 : memref<320x128xf32, #tpu.memory_space<hbm>>)
          tpu.yield
        }) : () -> ()
      } else {
      }
    }
    %scan3A_11 = arith.constant 16 : i32
    return
  }
}

#map = affine_map<(d0, d1) -> (0, 0)>
#map1 = affine_map<(d0, d1) -> (0)>
module attributes {stable_mosaic.version = 14 : i64} {
  func.func @body(%arg0: i32, %arg1: i32, %arg2: memref<20000x128xf32, #tpu.memory_space<hbm>>, %arg3: memref<32768xi32, #tpu.memory_space<hbm>>, %arg4: memref<32768x128xf32, #tpu.memory_space<hbm>>, %arg5: memref<1024xi32, #tpu.memory_space<vmem>>, %arg6: memref<256x128xf32, #tpu.memory_space<vmem>>, %arg7: memref<256x128xf32, #tpu.memory_space<vmem>>, %arg8: memref<!tpu.dma_semaphore, #tpu.memory_space<semaphore_mem>>, %arg9: memref<!tpu.dma_semaphore, #tpu.memory_space<semaphore_mem>>) attributes {dimension_semantics = [#tpu.dimension_semantics<core_parallel>, #tpu.dimension_semantics<subcore_parallel>], iteration_bounds = array<i64: 2, 16>, scalar_prefetch = 0 : i64, scratch_operands = 5 : i64, tpu.core_type = #tpu.core_type<sc_vector_subcore>, window_params = [{transform_indices = #map}, {transform_indices = #map1}, {transform_indices = #map}]} {
    %mul3A = arith.constant 2 : i32
    %mul3A_0 = arith.muli %arg1, %mul3A : i32
    %add3A = arith.addi %mul3A_0, %arg0 : i32
    %mul3A_1 = arith.constant 1024 : i32
    %mul3A_2 = arith.muli %add3A, %mul3A_1 : i32
    "tpu.region"() ({
      %run_scoped3A = tpu.sem_alloc : memref<!tpu.dma_semaphore, #tpu.memory_space<semaphore_mem>>
      %dma_start3A_12 = tpu.memref_slice %arg3[%mul3A_2] : memref<32768xi32, #tpu.memory_space<hbm>> -> memref<1024xi32, #tpu.memory_space<hbm>>
      %dma_start3A_13 = tpu.memref_slice %arg3[%mul3A_2] : memref<32768xi32, #tpu.memory_space<hbm>> -> memref<1024xi32, #tpu.memory_space<hbm>>
      tpu.enqueue_dma source(%dma_start3A_13 : memref<1024xi32, #tpu.memory_space<hbm>>) target(%arg5 : memref<1024xi32, #tpu.memory_space<vmem>>) target_semaphore(%run_scoped3A : memref<!tpu.dma_semaphore, #tpu.memory_space<semaphore_mem>>)
      %dma_wait3A = tpu.memref_slice %arg3[%mul3A_2] : memref<32768xi32, #tpu.memory_space<hbm>> -> memref<1024xi32, #tpu.memory_space<hbm>>
      %dma_wait3A_14 = tpu.memref_slice %arg3[%mul3A_2] : memref<32768xi32, #tpu.memory_space<hbm>> -> memref<1024xi32, #tpu.memory_space<hbm>>
      tpu.wait_dma2 semaphore(%run_scoped3A : memref<!tpu.dma_semaphore, #tpu.memory_space<semaphore_mem>>) src(%dma_wait3A_14 : memref<1024xi32, #tpu.memory_space<hbm>>) dst(%arg5 : memref<1024xi32, #tpu.memory_space<vmem>>)
      tpu.yield
    }) : () -> ()
    %dma_start3A = arith.constant 0 : i32
    %dma_start3A_3 = tpu.memref_slice %arg5[%dma_start3A] : memref<1024xi32, #tpu.memory_space<vmem>> -> memref<256xi32, #tpu.memory_space<vmem>>
    %dma_start3A_4 = arith.constant 0 : i32
    %dma_start3A_5 = arith.constant 0 : i32
    %dma_start3A_6 = tpu.memref_slice %arg2[%dma_start3A_4, %dma_start3A_5] : memref<20000x128xf32, #tpu.memory_space<hbm>> -> memref<20000x128xf32, #tpu.memory_space<hbm>>
    tpu.enqueue_indirect_dma source(%dma_start3A_6 : memref<20000x128xf32, #tpu.memory_space<hbm>>) target(%arg6 : memref<256x128xf32, #tpu.memory_space<vmem>>) offsets(%dma_start3A_3 : memref<256xi32, #tpu.memory_space<vmem>>) semaphore(%arg8 : memref<!tpu.dma_semaphore, #tpu.memory_space<semaphore_mem>>)
    %scan3A = arith.constant 0 : i32
    %scan3A_7 = arith.constant 0 : i32
    %scan3A_8 = arith.constant 4 : i32
    %scan3A_9 = arith.addi %scan3A_7, %scan3A_8 : i32
    %scan3A_10 = arith.constant 1 : i32
    scf.for %scan3A_12 = %scan3A_7 to %scan3A_9 step %scan3A_10  : i32 {
      %jit3A = arith.constant 2 : i32
      %eq3A = arith.constant 0 : i32
      %eq3A_13 = arith.cmpi eq, %jit3A, %eq3A : i32
      %jit3A_14 = arith.constant 1 : i32
      %select_n3A = arith.select %eq3A_13, %jit3A_14, %jit3A : i32
      %rem3A = arith.remsi %scan3A_12, %select_n3A : i32
      %ne3A = arith.constant 0 : i32
      %ne3A_15 = arith.cmpi ne, %rem3A, %ne3A : i32
      %lt3A = arith.constant 0 : i32
      %lt3A_16 = arith.cmpi slt, %rem3A, %lt3A : i32
      %lt3A_17 = arith.constant 0 : i32
      %lt3A_18 = arith.cmpi slt, %select_n3A, %lt3A_17 : i32
      %ne3A_19 = arith.xori %lt3A_16, %lt3A_18 : i1
      %and3A = arith.andi %ne3A_19, %ne3A_15 : i1
      %add3A_20 = arith.addi %rem3A, %select_n3A : i32
      %select_n3A_21 = arith.select %and3A, %add3A_20, %rem3A : i32
      %eq3A_22 = arith.constant 0 : i32
      %eq3A_23 = arith.cmpi eq, %select_n3A_21, %eq3A_22 : i32
      %add3A_24 = arith.constant 1 : i32
      %add3A_25 = arith.addi %scan3A_12, %add3A_24 : i32
      %lt3A_26 = arith.constant 4 : i32
      %lt3A_27 = arith.cmpi slt, %add3A_25, %lt3A_26 : i32
      %and3A_28 = arith.andi %lt3A_27, %eq3A_23 : i1
      %convert_element_type3A = arith.extui %and3A_28 : i1 to i32
      %cond3A = arith.constant 0 : i32
      %cond3A_29 = arith.cmpi ne, %convert_element_type3A, %cond3A : i32
      scf.if %cond3A_29 {
        %add3A_47 = arith.constant 1 : i32
        %add3A_48 = arith.addi %scan3A_12, %add3A_47 : i32
        %mul3A_49 = arith.constant 256 : i32
        %mul3A_50 = arith.muli %add3A_48, %mul3A_49 : i32
        %dma_start3A_51 = tpu.memref_slice %arg5[%mul3A_50] : memref<1024xi32, #tpu.memory_space<vmem>> -> memref<256xi32, #tpu.memory_space<vmem>>
        %dma_start3A_52 = arith.constant 0 : i32
        %dma_start3A_53 = arith.constant 0 : i32
        %dma_start3A_54 = tpu.memref_slice %arg2[%dma_start3A_52, %dma_start3A_53] : memref<20000x128xf32, #tpu.memory_space<hbm>> -> memref<20000x128xf32, #tpu.memory_space<hbm>>
        tpu.enqueue_indirect_dma source(%dma_start3A_54 : memref<20000x128xf32, #tpu.memory_space<hbm>>) target(%arg7 : memref<256x128xf32, #tpu.memory_space<vmem>>) offsets(%dma_start3A_51 : memref<256xi32, #tpu.memory_space<vmem>>) semaphore(%arg9 : memref<!tpu.dma_semaphore, #tpu.memory_space<semaphore_mem>>)
      } else {
      }
      %add3A_30 = arith.constant 1 : i32
      %add3A_31 = arith.addi %scan3A_12, %add3A_30 : i32
      %lt3A_32 = arith.constant 4 : i32
      %lt3A_33 = arith.cmpi slt, %add3A_31, %lt3A_32 : i32
      %not3A = arith.constant true
      %not3A_34 = arith.xori %eq3A_23, %not3A : i1
      %and3A_35 = arith.andi %lt3A_33, %not3A_34 : i1
      %convert_element_type3A_36 = arith.extui %and3A_35 : i1 to i32
      %cond3A_37 = arith.constant 0 : i32
      %cond3A_38 = arith.cmpi ne, %convert_element_type3A_36, %cond3A_37 : i32
      scf.if %cond3A_38 {
        %add3A_47 = arith.constant 1 : i32
        %add3A_48 = arith.addi %scan3A_12, %add3A_47 : i32
        %mul3A_49 = arith.constant 256 : i32
        %mul3A_50 = arith.muli %add3A_48, %mul3A_49 : i32
        %dma_start3A_51 = tpu.memref_slice %arg5[%mul3A_50] : memref<1024xi32, #tpu.memory_space<vmem>> -> memref<256xi32, #tpu.memory_space<vmem>>
        %dma_start3A_52 = arith.constant 0 : i32
        %dma_start3A_53 = arith.constant 0 : i32
        %dma_start3A_54 = tpu.memref_slice %arg2[%dma_start3A_52, %dma_start3A_53] : memref<20000x128xf32, #tpu.memory_space<hbm>> -> memref<20000x128xf32, #tpu.memory_space<hbm>>
        tpu.enqueue_indirect_dma source(%dma_start3A_54 : memref<20000x128xf32, #tpu.memory_space<hbm>>) target(%arg6 : memref<256x128xf32, #tpu.memory_space<vmem>>) offsets(%dma_start3A_51 : memref<256xi32, #tpu.memory_space<vmem>>) semaphore(%arg8 : memref<!tpu.dma_semaphore, #tpu.memory_space<semaphore_mem>>)
      } else {
      }
      %convert_element_type3A_39 = arith.extui %eq3A_23 : i1 to i32
      %cond3A_40 = arith.constant 0 : i32
      %cond3A_41 = arith.cmpi ne, %convert_element_type3A_39, %cond3A_40 : i32
      scf.if %cond3A_41 {
        %mul3A_47 = arith.constant 256 : i32
        %mul3A_48 = arith.muli %scan3A_12, %mul3A_47 : i32
        %dma_wait3A = tpu.memref_slice %arg5[%mul3A_48] : memref<1024xi32, #tpu.memory_space<vmem>> -> memref<256xi32, #tpu.memory_space<vmem>>
        %dma_wait3A_49 = arith.constant 0 : i32
        %dma_wait3A_50 = arith.constant 0 : i32
        %dma_wait3A_51 = tpu.memref_slice %arg2[%dma_wait3A_49, %dma_wait3A_50] : memref<20000x128xf32, #tpu.memory_space<hbm>> -> memref<20000x128xf32, #tpu.memory_space<hbm>>
        tpu.wait_indirect_dma semaphore(%arg8 : memref<!tpu.dma_semaphore, #tpu.memory_space<semaphore_mem>>) src(%dma_wait3A_51 : memref<20000x128xf32, #tpu.memory_space<hbm>>) dst(%arg6 : memref<256x128xf32, #tpu.memory_space<vmem>>)
        %mul3A_52 = arith.constant 256 : i32
        %mul3A_53 = arith.muli %scan3A_12, %mul3A_52 : i32
        %add3A_54 = arith.addi %mul3A_2, %mul3A_53 : i32
        "tpu.region"() ({
          %run_scoped3A = tpu.sem_alloc : memref<!tpu.dma_semaphore, #tpu.memory_space<semaphore_mem>>
          %dma_start3A_55 = arith.constant 0 : i32
          %dma_start3A_56 = tpu.memref_slice %arg4[%add3A_54, %dma_start3A_55] : memref<32768x128xf32, #tpu.memory_space<hbm>> -> memref<256x128xf32, #tpu.memory_space<hbm>>
          %dma_start3A_57 = arith.constant 0 : i32
          %dma_start3A_58 = tpu.memref_slice %arg4[%add3A_54, %dma_start3A_57] : memref<32768x128xf32, #tpu.memory_space<hbm>> -> memref<256x128xf32, #tpu.memory_space<hbm>>
          tpu.enqueue_dma source(%arg6 : memref<256x128xf32, #tpu.memory_space<vmem>>) target(%dma_start3A_58 : memref<256x128xf32, #tpu.memory_space<hbm>>) target_semaphore(%run_scoped3A : memref<!tpu.dma_semaphore, #tpu.memory_space<semaphore_mem>>)
          %dma_wait3A_59 = arith.constant 0 : i32
          %dma_wait3A_60 = tpu.memref_slice %arg4[%add3A_54, %dma_wait3A_59] : memref<32768x128xf32, #tpu.memory_space<hbm>> -> memref<256x128xf32, #tpu.memory_space<hbm>>
          %dma_wait3A_61 = arith.constant 0 : i32
          %dma_wait3A_62 = tpu.memref_slice %arg4[%add3A_54, %dma_wait3A_61] : memref<32768x128xf32, #tpu.memory_space<hbm>> -> memref<256x128xf32, #tpu.memory_space<hbm>>
          tpu.wait_dma2 semaphore(%run_scoped3A : memref<!tpu.dma_semaphore, #tpu.memory_space<semaphore_mem>>) src(%arg6 : memref<256x128xf32, #tpu.memory_space<vmem>>) dst(%dma_wait3A_62 : memref<256x128xf32, #tpu.memory_space<hbm>>)
          tpu.yield
        }) : () -> ()
      } else {
      }
      %not3A_42 = arith.constant true
      %not3A_43 = arith.xori %eq3A_23, %not3A_42 : i1
      %convert_element_type3A_44 = arith.extui %not3A_43 : i1 to i32
      %cond3A_45 = arith.constant 0 : i32
      %cond3A_46 = arith.cmpi ne, %convert_element_type3A_44, %cond3A_45 : i32
      scf.if %cond3A_46 {
        %mul3A_47 = arith.constant 256 : i32
        %mul3A_48 = arith.muli %scan3A_12, %mul3A_47 : i32
        %dma_wait3A = tpu.memref_slice %arg5[%mul3A_48] : memref<1024xi32, #tpu.memory_space<vmem>> -> memref<256xi32, #tpu.memory_space<vmem>>
        %dma_wait3A_49 = arith.constant 0 : i32
        %dma_wait3A_50 = arith.constant 0 : i32
        %dma_wait3A_51 = tpu.memref_slice %arg2[%dma_wait3A_49, %dma_wait3A_50] : memref<20000x128xf32, #tpu.memory_space<hbm>> -> memref<20000x128xf32, #tpu.memory_space<hbm>>
        tpu.wait_indirect_dma semaphore(%arg9 : memref<!tpu.dma_semaphore, #tpu.memory_space<semaphore_mem>>) src(%dma_wait3A_51 : memref<20000x128xf32, #tpu.memory_space<hbm>>) dst(%arg7 : memref<256x128xf32, #tpu.memory_space<vmem>>)
        %mul3A_52 = arith.constant 256 : i32
        %mul3A_53 = arith.muli %scan3A_12, %mul3A_52 : i32
        %add3A_54 = arith.addi %mul3A_2, %mul3A_53 : i32
        "tpu.region"() ({
          %run_scoped3A = tpu.sem_alloc : memref<!tpu.dma_semaphore, #tpu.memory_space<semaphore_mem>>
          %dma_start3A_55 = arith.constant 0 : i32
          %dma_start3A_56 = tpu.memref_slice %arg4[%add3A_54, %dma_start3A_55] : memref<32768x128xf32, #tpu.memory_space<hbm>> -> memref<256x128xf32, #tpu.memory_space<hbm>>
          %dma_start3A_57 = arith.constant 0 : i32
          %dma_start3A_58 = tpu.memref_slice %arg4[%add3A_54, %dma_start3A_57] : memref<32768x128xf32, #tpu.memory_space<hbm>> -> memref<256x128xf32, #tpu.memory_space<hbm>>
          tpu.enqueue_dma source(%arg7 : memref<256x128xf32, #tpu.memory_space<vmem>>) target(%dma_start3A_58 : memref<256x128xf32, #tpu.memory_space<hbm>>) target_semaphore(%run_scoped3A : memref<!tpu.dma_semaphore, #tpu.memory_space<semaphore_mem>>)
          %dma_wait3A_59 = arith.constant 0 : i32
          %dma_wait3A_60 = tpu.memref_slice %arg4[%add3A_54, %dma_wait3A_59] : memref<32768x128xf32, #tpu.memory_space<hbm>> -> memref<256x128xf32, #tpu.memory_space<hbm>>
          %dma_wait3A_61 = arith.constant 0 : i32
          %dma_wait3A_62 = tpu.memref_slice %arg4[%add3A_54, %dma_wait3A_61] : memref<32768x128xf32, #tpu.memory_space<hbm>> -> memref<256x128xf32, #tpu.memory_space<hbm>>
          tpu.wait_dma2 semaphore(%run_scoped3A : memref<!tpu.dma_semaphore, #tpu.memory_space<semaphore_mem>>) src(%arg7 : memref<256x128xf32, #tpu.memory_space<vmem>>) dst(%dma_wait3A_62 : memref<256x128xf32, #tpu.memory_space<hbm>>)
          tpu.yield
        }) : () -> ()
      } else {
      }
    }
    %scan3A_11 = arith.constant 4 : i32
    return
  }
}

#map = affine_map<(d0, d1) -> (0)>
module attributes {stable_mosaic.version = 14 : i64} {
  func.func @_topk_body(%arg0: i32, %arg1: i32, %arg2: memref<100352xf32, #tpu.memory_space<hbm>>, %arg3: memref<327680xi32, #tpu.memory_space<hbm>>, %arg4: memref<163840xi32, #tpu.memory_space<hbm>>, %arg5: memref<100352xf32, #tpu.memory_space<vmem>>, %arg6: memref<10240xi32, #tpu.memory_space<vmem>>, %arg7: memref<5136xi32, #tpu.memory_space<vmem>>, %arg8: memref<16xf32, #tpu.memory_space<vmem>>) attributes {dimension_semantics = [#tpu.dimension_semantics<core_parallel>, #tpu.dimension_semantics<subcore_parallel>], iteration_bounds = array<i64: 2, 16>, scalar_prefetch = 0 : i64, scratch_operands = 4 : i64, tpu.core_type = #tpu.core_type<sc_vector_subcore>, window_params = [{transform_indices = #map}, {transform_indices = #map}, {transform_indices = #map}]} {
    %mul3A = arith.constant 2 : i32
    %mul3A_0 = arith.muli %arg1, %mul3A : i32
    %add3A = arith.addi %mul3A_0, %arg0 : i32
    "tpu.region"() ({
      %run_scoped3A = tpu.sem_alloc : memref<!tpu.dma_semaphore, #tpu.memory_space<semaphore_mem>>
      tpu.enqueue_dma source(%arg2 : memref<100352xf32, #tpu.memory_space<hbm>>) target(%arg5 : memref<100352xf32, #tpu.memory_space<vmem>>) target_semaphore(%run_scoped3A : memref<!tpu.dma_semaphore, #tpu.memory_space<semaphore_mem>>)
      tpu.wait_dma2 semaphore(%run_scoped3A : memref<!tpu.dma_semaphore, #tpu.memory_space<semaphore_mem>>) src(%arg2 : memref<100352xf32, #tpu.memory_space<hbm>>) dst(%arg5 : memref<100352xf32, #tpu.memory_space<vmem>>)
      tpu.yield
    }) : () -> ()
    %mul3A_1 = arith.constant 640 : i32
    %mul3A_2 = arith.muli %add3A, %mul3A_1 : i32
    %mul3A_3 = arith.constant 16 : i32
    %mul3A_4 = arith.muli %mul3A_2, %mul3A_3 : i32
    "tpu.region"() ({
      %run_scoped3A = tpu.sem_alloc : memref<!tpu.dma_semaphore, #tpu.memory_space<semaphore_mem>>
      %dma_start3A = tpu.memref_slice %arg3[%mul3A_4] : memref<327680xi32, #tpu.memory_space<hbm>> -> memref<10240xi32, #tpu.memory_space<hbm>>
      %dma_start3A_15 = tpu.memref_slice %arg3[%mul3A_4] : memref<327680xi32, #tpu.memory_space<hbm>> -> memref<10240xi32, #tpu.memory_space<hbm>>
      tpu.enqueue_dma source(%dma_start3A_15 : memref<10240xi32, #tpu.memory_space<hbm>>) target(%arg6 : memref<10240xi32, #tpu.memory_space<vmem>>) target_semaphore(%run_scoped3A : memref<!tpu.dma_semaphore, #tpu.memory_space<semaphore_mem>>)
      %dma_wait3A = tpu.memref_slice %arg3[%mul3A_4] : memref<327680xi32, #tpu.memory_space<hbm>> -> memref<10240xi32, #tpu.memory_space<hbm>>
      %dma_wait3A_16 = tpu.memref_slice %arg3[%mul3A_4] : memref<327680xi32, #tpu.memory_space<hbm>> -> memref<10240xi32, #tpu.memory_space<hbm>>
      tpu.wait_dma2 semaphore(%run_scoped3A : memref<!tpu.dma_semaphore, #tpu.memory_space<semaphore_mem>>) src(%dma_wait3A_16 : memref<10240xi32, #tpu.memory_space<hbm>>) dst(%arg6 : memref<10240xi32, #tpu.memory_space<vmem>>)
      tpu.yield
    }) : () -> ()
    %broadcast_in_dim3A = arith.constant 8 : i32
    %broadcast_in_dim3A_5 = vector.broadcast %broadcast_in_dim3A : i32 to vector<16xi32>
    %broadcast_in_dim3A_6 = arith.constant 7 : i32
    %broadcast_in_dim3A_7 = vector.broadcast %broadcast_in_dim3A_6 : i32 to vector<16xi32>
    %iota3A = tpu.iota {dimensions = array<i32: 0>} : vector<16xi32>
    %scan3A = arith.constant 0 : i32
    %scan3A_8 = arith.constant 0 : i32
    %scan3A_9 = arith.constant 640 : i32
    %scan3A_10 = arith.addi %scan3A_8, %scan3A_9 : i32
    %scan3A_11 = arith.constant 1 : i32
    scf.for %scan3A_15 = %scan3A_8 to %scan3A_10 step %scan3A_11  : i32 {
      %mul3A_16 = arith.constant 16 : i32
      %mul3A_17 = arith.muli %scan3A_15, %mul3A_16 : i32
      %get3A = arith.index_cast %mul3A_17 : i32 to index
      %get3A_18 = tpu.vector_load %arg6[%get3A] {strides = array<i32>} : memref<10240xi32, #tpu.memory_space<vmem>>, vector<16xi32>,
      %gather3A = tpu.vector_load_idx %arg5[%get3A_18] : memref<100352xf32, #tpu.memory_space<vmem>>[vector<16xi32>], vector<16xf32>,
      %mul3A_19 = arith.constant 640 : i32
      %mul3A_20 = arith.muli %add3A, %mul3A_19 : i32
      %add3A_21 = arith.addi %mul3A_20, %scan3A_15 : i32
      %broadcast_in_dim3A_22 = vector.broadcast %add3A_21 : i32 to vector<16xi32>
      %gather3A_23 = tpu.vector_load_idx %arg5[%broadcast_in_dim3A_22] : memref<100352xf32, #tpu.memory_space<vmem>>[vector<16xi32>], vector<16xf32>,
      %sub3A = arith.subf %gather3A, %gather3A_23 : vector<16xf32>
      %abs3A = math.absf %sub3A : vector<16xf32>
      %sub3A_24 = arith.constant 1.000000e+00 : f32
      %sub3A_25 = vector.broadcast %sub3A_24 : f32 to vector<16xf32>
      %sub3A_26 = arith.subf %sub3A_25, %abs3A : vector<16xf32>
      %masked_sort3A = arith.constant dense<true> : vector<16xi1>
      %masked_sort3A_27, %masked_sort3A_28, %masked_sort3A_29 = tpu.sort %sub3A_26, %iota3A masked %masked_sort3A {descending = true} : (vector<16xf32>, vector<16xi32>, vector<16xi1>) -> (vector<16xi1>, vector<16xf32>, vector<16xi32>)
      %swap3A = arith.constant 0 : index
      %swap3A_30 = tpu.vector_load %arg8[%swap3A] {strides = array<i32>} : memref<16xf32, #tpu.memory_space<vmem>>, vector<16xf32>,
      tpu.vector_store %arg8[%swap3A], %masked_sort3A_28 {strides = array<i32>} : memref<16xf32, #tpu.memory_space<vmem>>, vector<16xf32>,
      %gather3A_31 = tpu.vector_load_idx %arg8[%broadcast_in_dim3A_7] : memref<16xf32, #tpu.memory_space<vmem>>[vector<16xi32>], vector<16xf32>,
      %gt3A = arith.cmpf ogt, %sub3A_26, %gather3A_31 : vector<16xf32>
      %all_reduce_population_count3A = tpu.all_reduce %gt3A {dim = 0 : i64, kind = #tpu.reduction_kind<sum>} : vector<16xi1> -> vector<16xi32>
      %eq3A = arith.cmpf oeq, %sub3A_26, %gather3A_31 : vector<16xf32>
      %jit3A = arith.constant 1 : i32
      %jit3A_32 = arith.constant 0 : i32
      %broadcast_in_dim3A_33 = vector.broadcast %jit3A : i32 to vector<16xi32>
      %broadcast_in_dim3A_34 = vector.broadcast %jit3A_32 : i32 to vector<16xi32>
      %select_n3A = arith.select %eq3A, %broadcast_in_dim3A_33, %broadcast_in_dim3A_34 : vector<16xi1>, vector<16xi32>
      %cumsum3A = arith.constant true
      %cumsum3A_35 = vector.broadcast %cumsum3A : i1 to vector<16xi1>
      %cumsum3A_36 = tpu.scan <sum>, %select_n3A masked %cumsum3A_35 : vector<16xi32>, vector<16xi1> -> vector<16xi32>
      %sub3A_37 = arith.subi %broadcast_in_dim3A_5, %all_reduce_population_count3A : vector<16xi32>
      %le3A = arith.cmpi sle, %cumsum3A_36, %sub3A_37 : vector<16xi32>
      %and3A = arith.andi %eq3A, %le3A : vector<16xi1>
      %or3A = arith.ori %gt3A, %and3A : vector<16xi1>
      %mul3A_38 = arith.constant 8 : i32
      %mul3A_39 = arith.muli %scan3A_15, %mul3A_38 : i32
      %swap3A_40 = arith.index_cast %mul3A_39 : i32 to index
      %swap3A_41 = tpu.vector_load %arg7[%swap3A_40] masked %or3A {strides = array<i32>} : memref<5136xi32, #tpu.memory_space<vmem>>, vector<16xi32>, vector<16xi1>
      tpu.vector_store %arg7[%swap3A_40], %get3A_18 masked %or3A {strides = array<i32>} : memref<5136xi32, #tpu.memory_space<vmem>>, vector<16xi32>, vector<16xi1>
    }
    %scan3A_12 = arith.constant 640 : i32
    %mul3A_13 = arith.constant 5120 : i32
    %mul3A_14 = arith.muli %add3A, %mul3A_13 : i32
    "tpu.region"() ({
      %run_scoped3A = tpu.sem_alloc : memref<!tpu.dma_semaphore, #tpu.memory_space<semaphore_mem>>
      %dma_start3A = arith.constant 0 : i32
      %dma_start3A_15 = tpu.memref_slice %arg7[%dma_start3A] : memref<5136xi32, #tpu.memory_space<vmem>> -> memref<5120xi32, #tpu.memory_space<vmem>>
      %dma_start3A_16 = tpu.memref_slice %arg4[%mul3A_14] : memref<163840xi32, #tpu.memory_space<hbm>> -> memref<5120xi32, #tpu.memory_space<hbm>>
      %dma_start3A_17 = tpu.memref_slice %arg4[%mul3A_14] : memref<163840xi32, #tpu.memory_space<hbm>> -> memref<5120xi32, #tpu.memory_space<hbm>>
      %dma_start3A_18 = arith.constant 0 : i32
      %dma_start3A_19 = tpu.memref_slice %arg7[%dma_start3A_18] : memref<5136xi32, #tpu.memory_space<vmem>> -> memref<5120xi32, #tpu.memory_space<vmem>>
      tpu.enqueue_dma source(%dma_start3A_19 : memref<5120xi32, #tpu.memory_space<vmem>>) target(%dma_start3A_17 : memref<5120xi32, #tpu.memory_space<hbm>>) target_semaphore(%run_scoped3A : memref<!tpu.dma_semaphore, #tpu.memory_space<semaphore_mem>>)
      %dma_wait3A = arith.constant 0 : i32
      %dma_wait3A_20 = tpu.memref_slice %arg7[%dma_wait3A] : memref<5136xi32, #tpu.memory_space<vmem>> -> memref<5120xi32, #tpu.memory_space<vmem>>
      %dma_wait3A_21 = tpu.memref_slice %arg4[%mul3A_14] : memref<163840xi32, #tpu.memory_space<hbm>> -> memref<5120xi32, #tpu.memory_space<hbm>>
      %dma_wait3A_22 = tpu.memref_slice %arg4[%mul3A_14] : memref<163840xi32, #tpu.memory_space<hbm>> -> memref<5120xi32, #tpu.memory_space<hbm>>
      %dma_wait3A_23 = arith.constant 0 : i32
      %dma_wait3A_24 = tpu.memref_slice %arg7[%dma_wait3A_23] : memref<5136xi32, #tpu.memory_space<vmem>> -> memref<5120xi32, #tpu.memory_space<vmem>>
      tpu.wait_dma2 semaphore(%run_scoped3A : memref<!tpu.dma_semaphore, #tpu.memory_space<semaphore_mem>>) src(%dma_wait3A_24 : memref<5120xi32, #tpu.memory_space<vmem>>) dst(%dma_wait3A_22 : memref<5120xi32, #tpu.memory_space<hbm>>)
      tpu.yield
    }) : () -> ()
    return
  }
}

module attributes {stable_mosaic.version = 14 : i64} {
  func.func @_logits_body(%arg0: i32, %arg1: memref<2048x128xf32, #tpu.memory_space<vmem>>, %arg2: memref<1x128xf32, #tpu.memory_space<vmem>>, %arg3: memref<1x1xf32, #tpu.memory_space<vmem>>, %arg4: memref<1x100352xf32, #tpu.memory_space<vmem>>, %arg5: memref<1x100352xf32, #tpu.memory_space<vmem>>) attributes {dimension_semantics = [#tpu.dimension_semantics<arbitrary>], iteration_bounds = array<i64: 49>, scalar_prefetch = 0 : i64, scratch_operands = 0 : i64, tpu.core_type = #tpu.core_type<tc>, window_params = [{transform_indices = @transform_0, window_bounds = array<i64: 2048, 128>}, {pipeline_mode = #tpu.pipeline_mode<synchronous>, transform_indices = @transform_1, window_bounds = array<i64: 1, 128>}, {pipeline_mode = #tpu.pipeline_mode<synchronous>, transform_indices = @transform_2, window_bounds = array<i64: 1, 1>}, {pipeline_mode = #tpu.pipeline_mode<synchronous>, transform_indices = @transform_3, window_bounds = array<i64: 1, 100352>}, {pipeline_mode = #tpu.pipeline_mode<synchronous>, transform_indices = @transform_4, window_bounds = array<i64: 1, 100352>}]} {
    %get3A = arith.constant 0 : index
    %get3A_0 = arith.constant 0 : index
    %get3A_1 = vector.load %arg2[%get3A, %get3A_0] : memref<1x128xf32, #tpu.memory_space<vmem>>, vector<1x128xf32>
    %get3A_2 = arith.constant 0 : index
    %get3A_3 = arith.constant 0 : index
    %get3A_4 = vector.load %arg1[%get3A_2, %get3A_3] : memref<2048x128xf32, #tpu.memory_space<vmem>>, vector<2048x128xf32>
    %dot_general3A = arith.constant dense<0.000000e+00> : vector<1x2048xf32>
    %dot_general3A_5 = tpu.matmul %get3A_1, %get3A_4, %dot_general3A {dimension_numbers = #tpu.dot_dimension_numbers<[1], [1], [0], [0], [0, 0, 1, 0], [], []>, transpose_lhs_hint = false} : vector<1x128xf32>, vector<2048x128xf32>, vector<1x2048xf32> -> vector<1x2048xf32>
    %get3A_6 = arith.constant 0 : index
    %get3A_7 = arith.constant 0 : index
    %get3A_8 = vector.load %arg3[%get3A_6, %get3A_7] : memref<1x1xf32, #tpu.memory_space<vmem>>, vector<1x1xf32>
    %add3A = vector.broadcast %get3A_8 : vector<1x1xf32> to vector<1x2048xf32>
    %add3A_9 = arith.addf %dot_general3A_5, %add3A : vector<1x2048xf32>
    %mul3A = arith.constant 2048 : i32
    %mul3A_10 = arith.muli %arg0, %mul3A : i32
    %swap3A = arith.constant 0 : index
    %swap3A_11 = arith.index_cast %mul3A_10 : i32 to index
    %swap3A_12 = vector.load %arg4[%swap3A, %swap3A_11] : memref<1x100352xf32, #tpu.memory_space<vmem>>, vector<1x2048xf32>
    tpu.vector_store %arg4[%swap3A, %swap3A_11], %add3A_9 {strides = array<i32>} : memref<1x100352xf32, #tpu.memory_space<vmem>>, vector<1x2048xf32>,
    %logistic3A = arith.negf %add3A_9 : vector<1x2048xf32>
    %logistic3A_13 = math.exp %logistic3A : vector<1x2048xf32>
    %logistic3A_14 = arith.constant 1.000000e+00 : f32
    %logistic3A_15 = vector.broadcast %logistic3A_14 : f32 to vector<1x2048xf32>
    %logistic3A_16 = arith.addf %logistic3A_15, %logistic3A_13 : vector<1x2048xf32>
    %logistic3A_17 = arith.divf %logistic3A_15, %logistic3A_16 : vector<1x2048xf32>
    %mul3A_18 = arith.constant 2048 : i32
    %mul3A_19 = arith.muli %arg0, %mul3A_18 : i32
    %swap3A_20 = arith.constant 0 : index
    %swap3A_21 = arith.index_cast %mul3A_19 : i32 to index
    %swap3A_22 = vector.load %arg5[%swap3A_20, %swap3A_21] : memref<1x100352xf32, #tpu.memory_space<vmem>>, vector<1x2048xf32>
    tpu.vector_store %arg5[%swap3A_20, %swap3A_21], %logistic3A_17 {strides = array<i32>} : memref<1x100352xf32, #tpu.memory_space<vmem>>, vector<1x2048xf32>,
    return
  }
  func.func @transform_0(%arg0: i32) -> (i32, i32) {
    %c0_i32 = arith.constant 0 : i32
    %c0_i32_0 = arith.constant 0 : i32
    return %arg0, %c0_i32 : i32, i32
  }
  func.func @transform_1(%arg0: i32) -> (i32, i32) {
    %c0_i32 = arith.constant 0 : i32
    %c0_i32_0 = arith.constant 0 : i32
    %c0_i32_1 = arith.constant 0 : i32
    return %c0_i32, %c0_i32_0 : i32, i32
  }
  func.func @transform_2(%arg0: i32) -> (i32, i32) {
    %c0_i32 = arith.constant 0 : i32
    %c0_i32_0 = arith.constant 0 : i32
    %c0_i32_1 = arith.constant 0 : i32
    return %c0_i32, %c0_i32_0 : i32, i32
  }
  func.func @transform_3(%arg0: i32) -> (i32, i32) {
    %c0_i32 = arith.constant 0 : i32
    %c0_i32_0 = arith.constant 0 : i32
    %c0_i32_1 = arith.constant 0 : i32
    return %c0_i32, %c0_i32_0 : i32, i32
  }
  func.func @transform_4(%arg0: i32) -> (i32, i32) {
    %c0_i32 = arith.constant 0 : i32
    %c0_i32_0 = arith.constant 0 : i32
    %c0_i32_1 = arith.constant 0 : i32
    return %c0_i32, %c0_i32_0 : i32, i32
  }
}

module attributes {stable_mosaic.version = 14 : i64} {
  func.func @_attn_body(%arg0: i32, %arg1: memref<512x128xf32, #tpu.memory_space<vmem>>, %arg2: memref<8x512x128xf32, #tpu.memory_space<vmem>>, %arg3: memref<128x128xf32, #tpu.memory_space<vmem>>, %arg4: memref<16x1024xf32, #tpu.memory_space<vmem>>, %arg5: memref<128x128xf32, #tpu.memory_space<vmem>>, %arg6: memref<128x128xf32, #tpu.memory_space<vmem>>, %arg7: memref<128x128xf32, #tpu.memory_space<vmem>>, %arg8: memref<128x128xf32, #tpu.memory_space<vmem>>, %arg9: memref<1x128xf32, #tpu.memory_space<vmem>>, %arg10: memref<1x128xf32, #tpu.memory_space<vmem>>, %arg11: memref<1x128xf32, #tpu.memory_space<vmem>>, %arg12: memref<1x128xf32, #tpu.memory_space<vmem>>, %arg13: memref<1x128xf32, #tpu.memory_space<vmem>>, %arg14: memref<1x128xf32, #tpu.memory_space<vmem>>, %arg15: memref<1x128xf32, #tpu.memory_space<vmem>>, %arg16: memref<1x128xf32, #tpu.memory_space<vmem>>, %arg17: memref<1x1xf32, #tpu.memory_space<vmem>>, %arg18: memref<512x128xf32, #tpu.memory_space<vmem>>, %arg19: memref<1x20480xf32, #tpu.memory_space<vmem>>) attributes {dimension_semantics = [#tpu.dimension_semantics<arbitrary>], iteration_bounds = array<i64: 40>, scalar_prefetch = 0 : i64, scratch_operands = 0 : i64, tpu.core_type = #tpu.core_type<tc>, window_params = [{transform_indices = @transform_0, window_bounds = array<i64: 512, 128>}, {transform_indices = @transform_1, window_bounds = array<i64: 8, 512, 128>}, {pipeline_mode = #tpu.pipeline_mode<synchronous>, transform_indices = @transform_2, window_bounds = array<i64: 128, 128>}, {pipeline_mode = #tpu.pipeline_mode<synchronous>, transform_indices = @transform_3, window_bounds = array<i64: 16, 1024>}, {pipeline_mode = #tpu.pipeline_mode<synchronous>, transform_indices = @transform_4, window_bounds = array<i64: 128, 128>}, {pipeline_mode = #tpu.pipeline_mode<synchronous>, transform_indices = @transform_5, window_bounds = array<i64: 128, 128>}, {pipeline_mode = #tpu.pipeline_mode<synchronous>, transform_indices = @transform_6, window_bounds = array<i64: 128, 128>}, {pipeline_mode = #tpu.pipeline_mode<synchronous>, transform_indices = @transform_7, window_bounds = array<i64: 128, 128>}, {pipeline_mode = #tpu.pipeline_mode<synchronous>, transform_indices = @transform_8, window_bounds = array<i64: 1, 128>}, {pipeline_mode = #tpu.pipeline_mode<synchronous>, transform_indices = @transform_9, window_bounds = array<i64: 1, 128>}, {pipeline_mode = #tpu.pipeline_mode<synchronous>, transform_indices = @transform_10, window_bounds = array<i64: 1, 128>}, {pipeline_mode = #tpu.pipeline_mode<synchronous>, transform_indices = @transform_11, window_bounds = array<i64: 1, 128>}, {pipeline_mode = #tpu.pipeline_mode<synchronous>, transform_indices = @transform_12, window_bounds = array<i64: 1, 128>}, {pipeline_mode = #tpu.pipeline_mode<synchronous>, transform_indices = @transform_13, window_bounds = array<i64: 1, 128>}, {pipeline_mode = #tpu.pipeline_mode<synchronous>, transform_indices = @transform_14, window_bounds = array<i64: 1, 128>}, {pipeline_mode = #tpu.pipeline_mode<synchronous>, transform_indices = @transform_15, window_bounds = array<i64: 1, 128>}, {pipeline_mode = #tpu.pipeline_mode<synchronous>, transform_indices = @transform_16, window_bounds = array<i64: 1, 1>}, {transform_indices = @transform_17, window_bounds = array<i64: 512, 128>}, {pipeline_mode = #tpu.pipeline_mode<synchronous>, transform_indices = @transform_18, window_bounds = array<i64: 1, 20480>}]} {
    %get3A = arith.constant 0 : index
    %get3A_0 = arith.constant 0 : index
    %get3A_1 = vector.load %arg1[%get3A, %get3A_0] : memref<512x128xf32, #tpu.memory_space<vmem>>, vector<512x128xf32>
    %get3A_2 = arith.constant 0 : index
    %get3A_3 = arith.constant 0 : index
    %get3A_4 = vector.load %arg5[%get3A_2, %get3A_3] : memref<128x128xf32, #tpu.memory_space<vmem>>, vector<128x128xf32>
    %dot_general3A = arith.constant dense<0.000000e+00> : vector<512x128xf32>
    %dot_general3A_5 = tpu.matmul %get3A_1, %get3A_4, %dot_general3A {dimension_numbers = #tpu.dot_dimension_numbers<[1], [0], [0], [1], [0, 0, 1, 1], [], []>, transpose_lhs_hint = false} : vector<512x128xf32>, vector<128x128xf32>, vector<512x128xf32> -> vector<512x128xf32>
    %get3A_6 = arith.constant 0 : index
    %get3A_7 = arith.constant 0 : index
    %get3A_8 = vector.load %arg9[%get3A_6, %get3A_7] : memref<1x128xf32, #tpu.memory_space<vmem>>, vector<1x128xf32>
    %add3A = vector.broadcast %get3A_8 : vector<1x128xf32> to vector<512x128xf32>
    %add3A_9 = arith.addf %dot_general3A_5, %add3A : vector<512x128xf32>
    %get3A_10 = arith.constant 0 : index
    %get3A_11 = arith.constant 0 : index
    %get3A_12 = arith.constant 0 : index
    %get3A_13 = vector.load %arg2[%get3A_10, %get3A_11, %get3A_12] : memref<8x512x128xf32, #tpu.memory_space<vmem>>, vector<8x512x128xf32>
    %reshape3A = vector.shape_cast %get3A_13 : vector<8x512x128xf32> to vector<4096x128xf32>
    %get3A_14 = arith.constant 0 : index
    %get3A_15 = arith.constant 0 : index
    %get3A_16 = vector.load %arg6[%get3A_14, %get3A_15] : memref<128x128xf32, #tpu.memory_space<vmem>>, vector<128x128xf32>
    %dot_general3A_17 = arith.constant dense<0.000000e+00> : vector<4096x128xf32>
    %dot_general3A_18 = tpu.matmul %reshape3A, %get3A_16, %dot_general3A_17 {dimension_numbers = #tpu.dot_dimension_numbers<[1], [0], [0], [1], [0, 0, 1, 1], [], []>, transpose_lhs_hint = false} : vector<4096x128xf32>, vector<128x128xf32>, vector<4096x128xf32> -> vector<4096x128xf32>
    %reshape3A_19 = vector.shape_cast %dot_general3A_18 : vector<4096x128xf32> to vector<8x512x128xf32>
    %get3A_20 = arith.constant 0 : index
    %get3A_21 = arith.constant 0 : index
    %get3A_22 = vector.load %arg7[%get3A_20, %get3A_21] : memref<128x128xf32, #tpu.memory_space<vmem>>, vector<128x128xf32>
    %dot_general3A_23 = arith.constant dense<0.000000e+00> : vector<4096x128xf32>
    %dot_general3A_24 = tpu.matmul %reshape3A, %get3A_22, %dot_general3A_23 {dimension_numbers = #tpu.dot_dimension_numbers<[1], [0], [0], [1], [0, 0, 1, 1], [], []>, transpose_lhs_hint = false} : vector<4096x128xf32>, vector<128x128xf32>, vector<4096x128xf32> -> vector<4096x128xf32>
    %reshape3A_25 = vector.shape_cast %dot_general3A_24 : vector<4096x128xf32> to vector<8x512x128xf32>
    %broadcast_in_dim3A = vector.shape_cast %add3A_9 : vector<512x128xf32> to vector<1x512x128xf32>
    %mul3A = vector.broadcast %broadcast_in_dim3A : vector<1x512x128xf32> to vector<8x512x128xf32>
    %mul3A_26 = arith.mulf %reshape3A_19, %mul3A : vector<8x512x128xf32>
    %get3A_27 = arith.constant 0 : index
    %get3A_28 = arith.constant 0 : index
    %get3A_29 = vector.load %arg3[%get3A_27, %get3A_28] : memref<128x128xf32, #tpu.memory_space<vmem>>, vector<128x128xf32>
    %get3A_30 = arith.constant 0 : index
    %get3A_31 = arith.constant 0 : index
    %get3A_32 = vector.load %arg4[%get3A_30, %get3A_31] : memref<16x1024xf32, #tpu.memory_space<vmem>>, vector<16x1024xf32>
    %slice3A = vector.extract_strided_slice %mul3A_26 {offsets = [0, 0, 0], sizes = [1, 512, 128], strides = [1, 1, 1]} : vector<8x512x128xf32> to vector<1x512x128xf32>
    %squeeze3A = vector.shape_cast %slice3A : vector<1x512x128xf32> to vector<512x128xf32>
    %slice3A_33 = vector.extract_strided_slice %get3A_29 {offsets = [0, 0], sizes = [128, 16], strides = [1, 1]} : vector<128x128xf32> to vector<128x16xf32>
    %dot_general3A_34 = arith.constant dense<0.000000e+00> : vector<512x16xf32>
    %dot_general3A_35 = tpu.matmul %squeeze3A, %slice3A_33, %dot_general3A_34 {dimension_numbers = #tpu.dot_dimension_numbers<[1], [0], [0], [1], [0, 0, 1, 1], [], []>, transpose_lhs_hint = false} : vector<512x128xf32>, vector<128x16xf32>, vector<512x16xf32> -> vector<512x16xf32>
    %slice3A_36 = vector.extract_strided_slice %mul3A_26 {offsets = [1, 0, 0], sizes = [1, 512, 128], strides = [1, 1, 1]} : vector<8x512x128xf32> to vector<1x512x128xf32>
    %squeeze3A_37 = vector.shape_cast %slice3A_36 : vector<1x512x128xf32> to vector<512x128xf32>
    %slice3A_38 = vector.extract_strided_slice %get3A_29 {offsets = [0, 16], sizes = [128, 16], strides = [1, 1]} : vector<128x128xf32> to vector<128x16xf32>
    %dot_general3A_39 = arith.constant dense<0.000000e+00> : vector<512x16xf32>
    %dot_general3A_40 = tpu.matmul %squeeze3A_37, %slice3A_38, %dot_general3A_39 {dimension_numbers = #tpu.dot_dimension_numbers<[1], [0], [0], [1], [0, 0, 1, 1], [], []>, transpose_lhs_hint = false} : vector<512x128xf32>, vector<128x16xf32>, vector<512x16xf32> -> vector<512x16xf32>
    %add3A_41 = arith.addf %dot_general3A_35, %dot_general3A_40 : vector<512x16xf32>
    %slice3A_42 = vector.extract_strided_slice %mul3A_26 {offsets = [2, 0, 0], sizes = [1, 512, 128], strides = [1, 1, 1]} : vector<8x512x128xf32> to vector<1x512x128xf32>
    %squeeze3A_43 = vector.shape_cast %slice3A_42 : vector<1x512x128xf32> to vector<512x128xf32>
    %slice3A_44 = vector.extract_strided_slice %get3A_29 {offsets = [0, 32], sizes = [128, 16], strides = [1, 1]} : vector<128x128xf32> to vector<128x16xf32>
    %dot_general3A_45 = arith.constant dense<0.000000e+00> : vector<512x16xf32>
    %dot_general3A_46 = tpu.matmul %squeeze3A_43, %slice3A_44, %dot_general3A_45 {dimension_numbers = #tpu.dot_dimension_numbers<[1], [0], [0], [1], [0, 0, 1, 1], [], []>, transpose_lhs_hint = false} : vector<512x128xf32>, vector<128x16xf32>, vector<512x16xf32> -> vector<512x16xf32>
    %add3A_47 = arith.addf %add3A_41, %dot_general3A_46 : vector<512x16xf32>
    %slice3A_48 = vector.extract_strided_slice %mul3A_26 {offsets = [3, 0, 0], sizes = [1, 512, 128], strides = [1, 1, 1]} : vector<8x512x128xf32> to vector<1x512x128xf32>
    %squeeze3A_49 = vector.shape_cast %slice3A_48 : vector<1x512x128xf32> to vector<512x128xf32>
    %slice3A_50 = vector.extract_strided_slice %get3A_29 {offsets = [0, 48], sizes = [128, 16], strides = [1, 1]} : vector<128x128xf32> to vector<128x16xf32>
    %dot_general3A_51 = arith.constant dense<0.000000e+00> : vector<512x16xf32>
    %dot_general3A_52 = tpu.matmul %squeeze3A_49, %slice3A_50, %dot_general3A_51 {dimension_numbers = #tpu.dot_dimension_numbers<[1], [0], [0], [1], [0, 0, 1, 1], [], []>, transpose_lhs_hint = false} : vector<512x128xf32>, vector<128x16xf32>, vector<512x16xf32> -> vector<512x16xf32>
    %add3A_53 = arith.addf %add3A_47, %dot_general3A_52 : vector<512x16xf32>
    %slice3A_54 = vector.extract_strided_slice %mul3A_26 {offsets = [4, 0, 0], sizes = [1, 512, 128], strides = [1, 1, 1]} : vector<8x512x128xf32> to vector<1x512x128xf32>
    %squeeze3A_55 = vector.shape_cast %slice3A_54 : vector<1x512x128xf32> to vector<512x128xf32>
    %slice3A_56 = vector.extract_strided_slice %get3A_29 {offsets = [0, 64], sizes = [128, 16], strides = [1, 1]} : vector<128x128xf32> to vector<128x16xf32>
    %dot_general3A_57 = arith.constant dense<0.000000e+00> : vector<512x16xf32>
    %dot_general3A_58 = tpu.matmul %squeeze3A_55, %slice3A_56, %dot_general3A_57 {dimension_numbers = #tpu.dot_dimension_numbers<[1], [0], [0], [1], [0, 0, 1, 1], [], []>, transpose_lhs_hint = false} : vector<512x128xf32>, vector<128x16xf32>, vector<512x16xf32> -> vector<512x16xf32>
    %add3A_59 = arith.addf %add3A_53, %dot_general3A_58 : vector<512x16xf32>
    %slice3A_60 = vector.extract_strided_slice %mul3A_26 {offsets = [5, 0, 0], sizes = [1, 512, 128], strides = [1, 1, 1]} : vector<8x512x128xf32> to vector<1x512x128xf32>
    %squeeze3A_61 = vector.shape_cast %slice3A_60 : vector<1x512x128xf32> to vector<512x128xf32>
    %slice3A_62 = vector.extract_strided_slice %get3A_29 {offsets = [0, 80], sizes = [128, 16], strides = [1, 1]} : vector<128x128xf32> to vector<128x16xf32>
    %dot_general3A_63 = arith.constant dense<0.000000e+00> : vector<512x16xf32>
    %dot_general3A_64 = tpu.matmul %squeeze3A_61, %slice3A_62, %dot_general3A_63 {dimension_numbers = #tpu.dot_dimension_numbers<[1], [0], [0], [1], [0, 0, 1, 1], [], []>, transpose_lhs_hint = false} : vector<512x128xf32>, vector<128x16xf32>, vector<512x16xf32> -> vector<512x16xf32>
    %add3A_65 = arith.addf %add3A_59, %dot_general3A_64 : vector<512x16xf32>
    %slice3A_66 = vector.extract_strided_slice %mul3A_26 {offsets = [6, 0, 0], sizes = [1, 512, 128], strides = [1, 1, 1]} : vector<8x512x128xf32> to vector<1x512x128xf32>
    %squeeze3A_67 = vector.shape_cast %slice3A_66 : vector<1x512x128xf32> to vector<512x128xf32>
    %slice3A_68 = vector.extract_strided_slice %get3A_29 {offsets = [0, 96], sizes = [128, 16], strides = [1, 1]} : vector<128x128xf32> to vector<128x16xf32>
    %dot_general3A_69 = arith.constant dense<0.000000e+00> : vector<512x16xf32>
    %dot_general3A_70 = tpu.matmul %squeeze3A_67, %slice3A_68, %dot_general3A_69 {dimension_numbers = #tpu.dot_dimension_numbers<[1], [0], [0], [1], [0, 0, 1, 1], [], []>, transpose_lhs_hint = false} : vector<512x128xf32>, vector<128x16xf32>, vector<512x16xf32> -> vector<512x16xf32>
    %add3A_71 = arith.addf %add3A_65, %dot_general3A_70 : vector<512x16xf32>
    %slice3A_72 = vector.extract_strided_slice %mul3A_26 {offsets = [7, 0, 0], sizes = [1, 512, 128], strides = [1, 1, 1]} : vector<8x512x128xf32> to vector<1x512x128xf32>
    %squeeze3A_73 = vector.shape_cast %slice3A_72 : vector<1x512x128xf32> to vector<512x128xf32>
    %slice3A_74 = vector.extract_strided_slice %get3A_29 {offsets = [0, 112], sizes = [128, 16], strides = [1, 1]} : vector<128x128xf32> to vector<128x16xf32>
    %dot_general3A_75 = arith.constant dense<0.000000e+00> : vector<512x16xf32>
    %dot_general3A_76 = tpu.matmul %squeeze3A_73, %slice3A_74, %dot_general3A_75 {dimension_numbers = #tpu.dot_dimension_numbers<[1], [0], [0], [1], [0, 0, 1, 1], [], []>, transpose_lhs_hint = false} : vector<512x128xf32>, vector<128x16xf32>, vector<512x16xf32> -> vector<512x16xf32>
    %add3A_77 = arith.addf %add3A_71, %dot_general3A_76 : vector<512x16xf32>
    %slice3A_78 = vector.extract_strided_slice %add3A_77 {offsets = [0, 0], sizes = [512, 8], strides = [1, 1]} : vector<512x16xf32> to vector<512x8xf32>
    %reduce_max3A = arith.constant dense<0xFF800000> : vector<512xf32>
    %reduce_max3A_79 = vector.multi_reduction <maximumf>, %slice3A_78, %reduce_max3A [1] : vector<512x8xf32> to vector<512xf32>
    %broadcast_in_dim3A_80 = vector.shape_cast %reduce_max3A_79 : vector<512xf32> to vector<512x1xf32>
    %slice3A_81 = vector.extract_strided_slice %add3A_77 {offsets = [0, 8], sizes = [512, 8], strides = [1, 1]} : vector<512x16xf32> to vector<512x8xf32>
    %reduce_max3A_82 = arith.constant dense<0xFF800000> : vector<512xf32>
    %reduce_max3A_83 = vector.multi_reduction <maximumf>, %slice3A_81, %reduce_max3A_82 [1] : vector<512x8xf32> to vector<512xf32>
    %broadcast_in_dim3A_84 = vector.shape_cast %reduce_max3A_83 : vector<512xf32> to vector<512x1xf32>
    %broadcast_in_dim3A_85 = vector.shape_cast %broadcast_in_dim3A_80 : vector<512x1xf32> to vector<512x1xf32>
    %broadcast_in_dim3A_86 = vector.broadcast %broadcast_in_dim3A_85 : vector<512x1xf32> to vector<512x8xf32>
    %broadcast_in_dim3A_87 = vector.shape_cast %broadcast_in_dim3A_84 : vector<512x1xf32> to vector<512x1xf32>
    %broadcast_in_dim3A_88 = vector.broadcast %broadcast_in_dim3A_87 : vector<512x1xf32> to vector<512x8xf32>
    %concatenate3A = tpu.concatenate %broadcast_in_dim3A_86, %broadcast_in_dim3A_88 in 1 : vector<512x8xf32>, vector<512x8xf32> -> vector<512x16xf32>
    %sub3A = arith.subf %add3A_77, %concatenate3A : vector<512x16xf32>
    %exp3A = math.exp %sub3A : vector<512x16xf32>
    %slice3A_89 = vector.extract_strided_slice %exp3A {offsets = [0, 0], sizes = [512, 8], strides = [1, 1]} : vector<512x16xf32> to vector<512x8xf32>
    %reduce_sum3A = arith.constant dense<0.000000e+00> : vector<512xf32>
    %reduce_sum3A_90 = vector.multi_reduction <add>, %slice3A_89, %reduce_sum3A [1] : vector<512x8xf32> to vector<512xf32>
    %broadcast_in_dim3A_91 = vector.shape_cast %reduce_sum3A_90 : vector<512xf32> to vector<512x1xf32>
    %slice3A_92 = vector.extract_strided_slice %exp3A {offsets = [0, 8], sizes = [512, 8], strides = [1, 1]} : vector<512x16xf32> to vector<512x8xf32>
    %reduce_sum3A_93 = arith.constant dense<0.000000e+00> : vector<512xf32>
    %reduce_sum3A_94 = vector.multi_reduction <add>, %slice3A_92, %reduce_sum3A_93 [1] : vector<512x8xf32> to vector<512xf32>
    %broadcast_in_dim3A_95 = vector.shape_cast %reduce_sum3A_94 : vector<512xf32> to vector<512x1xf32>
    %broadcast_in_dim3A_96 = vector.shape_cast %broadcast_in_dim3A_91 : vector<512x1xf32> to vector<512x1xf32>
    %broadcast_in_dim3A_97 = vector.broadcast %broadcast_in_dim3A_96 : vector<512x1xf32> to vector<512x8xf32>
    %broadcast_in_dim3A_98 = vector.shape_cast %broadcast_in_dim3A_95 : vector<512x1xf32> to vector<512x1xf32>
    %broadcast_in_dim3A_99 = vector.broadcast %broadcast_in_dim3A_98 : vector<512x1xf32> to vector<512x8xf32>
    %concatenate3A_100 = tpu.concatenate %broadcast_in_dim3A_97, %broadcast_in_dim3A_99 in 1 : vector<512x8xf32>, vector<512x8xf32> -> vector<512x16xf32>
    %add3A_101 = arith.constant 1.000000e-16 : f32
    %add3A_102 = vector.broadcast %add3A_101 : f32 to vector<512x16xf32>
    %add3A_103 = arith.addf %concatenate3A_100, %add3A_102 : vector<512x16xf32>
    %div3A = arith.divf %exp3A, %add3A_103 : vector<512x16xf32>
    %get3A_104 = arith.constant 0 : index
    %get3A_105 = arith.constant 0 : index
    %get3A_106 = vector.load %arg10[%get3A_104, %get3A_105] : memref<1x128xf32, #tpu.memory_space<vmem>>, vector<1x128xf32>
    %get3A_107 = arith.constant 0 : index
    %get3A_108 = arith.constant 0 : index
    %get3A_109 = vector.load %arg8[%get3A_107, %get3A_108] : memref<128x128xf32, #tpu.memory_space<vmem>>, vector<128x128xf32>
    %dot_general3A_110 = arith.constant dense<0.000000e+00> : vector<512x128xf32>
    %dot_general3A_111 = tpu.matmul %get3A_1, %get3A_109, %dot_general3A_110 {dimension_numbers = #tpu.dot_dimension_numbers<[1], [0], [0], [1], [0, 0, 1, 1], [], []>, transpose_lhs_hint = false} : vector<512x128xf32>, vector<128x128xf32>, vector<512x128xf32> -> vector<512x128xf32>
    %add3A_112 = vector.broadcast %get3A_106 : vector<1x128xf32> to vector<512x128xf32>
    %add3A_113 = arith.addf %add3A_112, %dot_general3A_111 : vector<512x128xf32>
    %get3A_114 = arith.constant 0 : index
    %get3A_115 = arith.constant 0 : index
    %get3A_116 = vector.load %arg11[%get3A_114, %get3A_115] : memref<1x128xf32, #tpu.memory_space<vmem>>, vector<1x128xf32>
    %add3A_117 = vector.broadcast %get3A_116 : vector<1x128xf32> to vector<512x128xf32>
    %add3A_118 = arith.addf %add3A_113, %add3A_117 : vector<512x128xf32>
    %slice3A_119 = vector.extract_strided_slice %get3A_32 {offsets = [0, 0], sizes = [16, 128], strides = [1, 1]} : vector<16x1024xf32> to vector<16x128xf32>
    %dot_general3A_120 = arith.constant dense<0.000000e+00> : vector<512x128xf32>
    %dot_general3A_121 = tpu.matmul %div3A, %slice3A_119, %dot_general3A_120 {dimension_numbers = #tpu.dot_dimension_numbers<[1], [0], [0], [1], [0, 0, 1, 1], [], []>, transpose_lhs_hint = false} : vector<512x16xf32>, vector<16x128xf32>, vector<512x128xf32> -> vector<512x128xf32>
    %slice3A_122 = vector.extract_strided_slice %reshape3A_25 {offsets = [0, 0, 0], sizes = [1, 512, 128], strides = [1, 1, 1]} : vector<8x512x128xf32> to vector<1x512x128xf32>
    %squeeze3A_123 = vector.shape_cast %slice3A_122 : vector<1x512x128xf32> to vector<512x128xf32>
    %mul3A_124 = arith.mulf %dot_general3A_121, %squeeze3A_123 : vector<512x128xf32>
    %add3A_125 = arith.addf %add3A_118, %mul3A_124 : vector<512x128xf32>
    %slice3A_126 = vector.extract_strided_slice %get3A_32 {offsets = [0, 128], sizes = [16, 128], strides = [1, 1]} : vector<16x1024xf32> to vector<16x128xf32>
    %dot_general3A_127 = arith.constant dense<0.000000e+00> : vector<512x128xf32>
    %dot_general3A_128 = tpu.matmul %div3A, %slice3A_126, %dot_general3A_127 {dimension_numbers = #tpu.dot_dimension_numbers<[1], [0], [0], [1], [0, 0, 1, 1], [], []>, transpose_lhs_hint = false} : vector<512x16xf32>, vector<16x128xf32>, vector<512x128xf32> -> vector<512x128xf32>
    %slice3A_129 = vector.extract_strided_slice %reshape3A_25 {offsets = [1, 0, 0], sizes = [1, 512, 128], strides = [1, 1, 1]} : vector<8x512x128xf32> to vector<1x512x128xf32>
    %squeeze3A_130 = vector.shape_cast %slice3A_129 : vector<1x512x128xf32> to vector<512x128xf32>
    %mul3A_131 = arith.mulf %dot_general3A_128, %squeeze3A_130 : vector<512x128xf32>
    %add3A_132 = arith.addf %add3A_125, %mul3A_131 : vector<512x128xf32>
    %slice3A_133 = vector.extract_strided_slice %get3A_32 {offsets = [0, 256], sizes = [16, 128], strides = [1, 1]} : vector<16x1024xf32> to vector<16x128xf32>
    %dot_general3A_134 = arith.constant dense<0.000000e+00> : vector<512x128xf32>
    %dot_general3A_135 = tpu.matmul %div3A, %slice3A_133, %dot_general3A_134 {dimension_numbers = #tpu.dot_dimension_numbers<[1], [0], [0], [1], [0, 0, 1, 1], [], []>, transpose_lhs_hint = false} : vector<512x16xf32>, vector<16x128xf32>, vector<512x128xf32> -> vector<512x128xf32>
    %slice3A_136 = vector.extract_strided_slice %reshape3A_25 {offsets = [2, 0, 0], sizes = [1, 512, 128], strides = [1, 1, 1]} : vector<8x512x128xf32> to vector<1x512x128xf32>
    %squeeze3A_137 = vector.shape_cast %slice3A_136 : vector<1x512x128xf32> to vector<512x128xf32>
    %mul3A_138 = arith.mulf %dot_general3A_135, %squeeze3A_137 : vector<512x128xf32>
    %add3A_139 = arith.addf %add3A_132, %mul3A_138 : vector<512x128xf32>
    %slice3A_140 = vector.extract_strided_slice %get3A_32 {offsets = [0, 384], sizes = [16, 128], strides = [1, 1]} : vector<16x1024xf32> to vector<16x128xf32>
    %dot_general3A_141 = arith.constant dense<0.000000e+00> : vector<512x128xf32>
    %dot_general3A_142 = tpu.matmul %div3A, %slice3A_140, %dot_general3A_141 {dimension_numbers = #tpu.dot_dimension_numbers<[1], [0], [0], [1], [0, 0, 1, 1], [], []>, transpose_lhs_hint = false} : vector<512x16xf32>, vector<16x128xf32>, vector<512x128xf32> -> vector<512x128xf32>
    %slice3A_143 = vector.extract_strided_slice %reshape3A_25 {offsets = [3, 0, 0], sizes = [1, 512, 128], strides = [1, 1, 1]} : vector<8x512x128xf32> to vector<1x512x128xf32>
    %squeeze3A_144 = vector.shape_cast %slice3A_143 : vector<1x512x128xf32> to vector<512x128xf32>
    %mul3A_145 = arith.mulf %dot_general3A_142, %squeeze3A_144 : vector<512x128xf32>
    %add3A_146 = arith.addf %add3A_139, %mul3A_145 : vector<512x128xf32>
    %slice3A_147 = vector.extract_strided_slice %get3A_32 {offsets = [0, 512], sizes = [16, 128], strides = [1, 1]} : vector<16x1024xf32> to vector<16x128xf32>
    %dot_general3A_148 = arith.constant dense<0.000000e+00> : vector<512x128xf32>
    %dot_general3A_149 = tpu.matmul %div3A, %slice3A_147, %dot_general3A_148 {dimension_numbers = #tpu.dot_dimension_numbers<[1], [0], [0], [1], [0, 0, 1, 1], [], []>, transpose_lhs_hint = false} : vector<512x16xf32>, vector<16x128xf32>, vector<512x128xf32> -> vector<512x128xf32>
    %slice3A_150 = vector.extract_strided_slice %reshape3A_25 {offsets = [4, 0, 0], sizes = [1, 512, 128], strides = [1, 1, 1]} : vector<8x512x128xf32> to vector<1x512x128xf32>
    %squeeze3A_151 = vector.shape_cast %slice3A_150 : vector<1x512x128xf32> to vector<512x128xf32>
    %mul3A_152 = arith.mulf %dot_general3A_149, %squeeze3A_151 : vector<512x128xf32>
    %add3A_153 = arith.addf %add3A_146, %mul3A_152 : vector<512x128xf32>
    %slice3A_154 = vector.extract_strided_slice %get3A_32 {offsets = [0, 640], sizes = [16, 128], strides = [1, 1]} : vector<16x1024xf32> to vector<16x128xf32>
    %dot_general3A_155 = arith.constant dense<0.000000e+00> : vector<512x128xf32>
    %dot_general3A_156 = tpu.matmul %div3A, %slice3A_154, %dot_general3A_155 {dimension_numbers = #tpu.dot_dimension_numbers<[1], [0], [0], [1], [0, 0, 1, 1], [], []>, transpose_lhs_hint = false} : vector<512x16xf32>, vector<16x128xf32>, vector<512x128xf32> -> vector<512x128xf32>
    %slice3A_157 = vector.extract_strided_slice %reshape3A_25 {offsets = [5, 0, 0], sizes = [1, 512, 128], strides = [1, 1, 1]} : vector<8x512x128xf32> to vector<1x512x128xf32>
    %squeeze3A_158 = vector.shape_cast %slice3A_157 : vector<1x512x128xf32> to vector<512x128xf32>
    %mul3A_159 = arith.mulf %dot_general3A_156, %squeeze3A_158 : vector<512x128xf32>
    %add3A_160 = arith.addf %add3A_153, %mul3A_159 : vector<512x128xf32>
    %slice3A_161 = vector.extract_strided_slice %get3A_32 {offsets = [0, 768], sizes = [16, 128], strides = [1, 1]} : vector<16x1024xf32> to vector<16x128xf32>
    %dot_general3A_162 = arith.constant dense<0.000000e+00> : vector<512x128xf32>
    %dot_general3A_163 = tpu.matmul %div3A, %slice3A_161, %dot_general3A_162 {dimension_numbers = #tpu.dot_dimension_numbers<[1], [0], [0], [1], [0, 0, 1, 1], [], []>, transpose_lhs_hint = false} : vector<512x16xf32>, vector<16x128xf32>, vector<512x128xf32> -> vector<512x128xf32>
    %slice3A_164 = vector.extract_strided_slice %reshape3A_25 {offsets = [6, 0, 0], sizes = [1, 512, 128], strides = [1, 1, 1]} : vector<8x512x128xf32> to vector<1x512x128xf32>
    %squeeze3A_165 = vector.shape_cast %slice3A_164 : vector<1x512x128xf32> to vector<512x128xf32>
    %mul3A_166 = arith.mulf %dot_general3A_163, %squeeze3A_165 : vector<512x128xf32>
    %add3A_167 = arith.addf %add3A_160, %mul3A_166 : vector<512x128xf32>
    %slice3A_168 = vector.extract_strided_slice %get3A_32 {offsets = [0, 896], sizes = [16, 128], strides = [1, 1]} : vector<16x1024xf32> to vector<16x128xf32>
    %dot_general3A_169 = arith.constant dense<0.000000e+00> : vector<512x128xf32>
    %dot_general3A_170 = tpu.matmul %div3A, %slice3A_168, %dot_general3A_169 {dimension_numbers = #tpu.dot_dimension_numbers<[1], [0], [0], [1], [0, 0, 1, 1], [], []>, transpose_lhs_hint = false} : vector<512x16xf32>, vector<16x128xf32>, vector<512x128xf32> -> vector<512x128xf32>
    %slice3A_171 = vector.extract_strided_slice %reshape3A_25 {offsets = [7, 0, 0], sizes = [1, 512, 128], strides = [1, 1, 1]} : vector<8x512x128xf32> to vector<1x512x128xf32>
    %squeeze3A_172 = vector.shape_cast %slice3A_171 : vector<1x512x128xf32> to vector<512x128xf32>
    %mul3A_173 = arith.mulf %dot_general3A_170, %squeeze3A_172 : vector<512x128xf32>
    %add3A_174 = arith.addf %add3A_167, %mul3A_173 : vector<512x128xf32>
    %get3A_175 = arith.constant 0 : index
    %get3A_176 = arith.constant 0 : index
    %get3A_177 = vector.load %arg15[%get3A_175, %get3A_176] : memref<1x128xf32, #tpu.memory_space<vmem>>, vector<1x128xf32>
    %add3A_178 = arith.constant 9.99999974E-6 : f32
    %add3A_179 = vector.broadcast %add3A_178 : f32 to vector<1x128xf32>
    %add3A_180 = arith.addf %get3A_177, %add3A_179 : vector<1x128xf32>
    %rsqrt3A = math.rsqrt %add3A_180 : vector<1x128xf32>
    %get3A_181 = arith.constant 0 : index
    %get3A_182 = arith.constant 0 : index
    %get3A_183 = vector.load %arg14[%get3A_181, %get3A_182] : memref<1x128xf32, #tpu.memory_space<vmem>>, vector<1x128xf32>
    %sub3A_184 = vector.broadcast %get3A_183 : vector<1x128xf32> to vector<512x128xf32>
    %sub3A_185 = arith.subf %add3A_174, %sub3A_184 : vector<512x128xf32>
    %mul3A_186 = vector.broadcast %rsqrt3A : vector<1x128xf32> to vector<512x128xf32>
    %mul3A_187 = arith.mulf %sub3A_185, %mul3A_186 : vector<512x128xf32>
    %get3A_188 = arith.constant 0 : index
    %get3A_189 = arith.constant 0 : index
    %get3A_190 = vector.load %arg12[%get3A_188, %get3A_189] : memref<1x128xf32, #tpu.memory_space<vmem>>, vector<1x128xf32>
    %mul3A_191 = vector.broadcast %get3A_190 : vector<1x128xf32> to vector<512x128xf32>
    %mul3A_192 = arith.mulf %mul3A_187, %mul3A_191 : vector<512x128xf32>
    %get3A_193 = arith.constant 0 : index
    %get3A_194 = arith.constant 0 : index
    %get3A_195 = vector.load %arg13[%get3A_193, %get3A_194] : memref<1x128xf32, #tpu.memory_space<vmem>>, vector<1x128xf32>
    %add3A_196 = vector.broadcast %get3A_195 : vector<1x128xf32> to vector<512x128xf32>
    %add3A_197 = arith.addf %mul3A_192, %add3A_196 : vector<512x128xf32>
    %max3A = arith.constant 0.000000e+00 : f32
    %max3A_198 = vector.broadcast %max3A : f32 to vector<512x128xf32>
    %max3A_199 = arith.maximumf %add3A_197, %max3A_198 : vector<512x128xf32>
    %abs3A = math.absf %add3A_197 : vector<512x128xf32>
    %neg3A = arith.constant 0.000000e+00 : f32
    %neg3A_200 = vector.broadcast %neg3A : f32 to vector<512x128xf32>
    %neg3A_201 = arith.subf %neg3A_200, %abs3A : vector<512x128xf32>
    %exp3A_202 = math.exp %neg3A_201 : vector<512x128xf32>
    %log1p3A = math.log1p %exp3A_202 : vector<512x128xf32>
    %add3A_203 = arith.addf %max3A_199, %log1p3A : vector<512x128xf32>
    %tanh3A = math.tanh %add3A_203 : vector<512x128xf32>
    %mul3A_204 = arith.mulf %add3A_197, %tanh3A : vector<512x128xf32>
    %swap3A = arith.constant 0 : index
    %swap3A_205 = arith.constant 0 : index
    %swap3A_206 = vector.load %arg18[%swap3A, %swap3A_205] : memref<512x128xf32, #tpu.memory_space<vmem>>, vector<512x128xf32>
    tpu.vector_store %arg18[%swap3A, %swap3A_205], %mul3A_204 {strides = array<i32>} : memref<512x128xf32, #tpu.memory_space<vmem>>, vector<512x128xf32>,
    %get3A_207 = arith.constant 0 : index
    %get3A_208 = arith.constant 0 : index
    %get3A_209 = vector.load %arg16[%get3A_207, %get3A_208] : memref<1x128xf32, #tpu.memory_space<vmem>>, vector<1x128xf32>
    %dot_general3A_210 = arith.constant dense<0.000000e+00> : vector<1x512xf32>
    %dot_general3A_211 = tpu.matmul %get3A_209, %mul3A_204, %dot_general3A_210 {dimension_numbers = #tpu.dot_dimension_numbers<[1], [1], [0], [0], [0, 0, 1, 0], [], []>, transpose_lhs_hint = false} : vector<1x128xf32>, vector<512x128xf32>, vector<1x512xf32> -> vector<1x512xf32>
    %get3A_212 = arith.constant 0 : index
    %get3A_213 = arith.constant 0 : index
    %get3A_214 = vector.load %arg17[%get3A_212, %get3A_213] : memref<1x1xf32, #tpu.memory_space<vmem>>, vector<1x1xf32>
    %add3A_215 = vector.broadcast %get3A_214 : vector<1x1xf32> to vector<1x512xf32>
    %add3A_216 = arith.addf %dot_general3A_211, %add3A_215 : vector<1x512xf32>
    %mul3A_217 = arith.constant 512 : i32
    %mul3A_218 = arith.muli %arg0, %mul3A_217 : i32
    %swap3A_219 = arith.constant 0 : index
    %swap3A_220 = arith.index_cast %mul3A_218 : i32 to index
    %swap3A_221 = vector.load %arg19[%swap3A_219, %swap3A_220] : memref<1x20480xf32, #tpu.memory_space<vmem>>, vector<1x512xf32>
    tpu.vector_store %arg19[%swap3A_219, %swap3A_220], %add3A_216 {strides = array<i32>} : memref<1x20480xf32, #tpu.memory_space<vmem>>, vector<1x512xf32>,
    return
  }
  func.func @transform_0(%arg0: i32) -> (i32, i32) {
    %c0_i32 = arith.constant 0 : i32
    %c0_i32_0 = arith.constant 0 : i32
    return %arg0, %c0_i32 : i32, i32
  }
  func.func @transform_1(%arg0: i32) -> (i32, i32, i32) {
    %c0_i32 = arith.constant 0 : i32
    %c0_i32_0 = arith.constant 0 : i32
    %c0_i32_1 = arith.constant 0 : i32
    return %c0_i32, %arg0, %c0_i32_0 : i32, i32, i32
  }
  func.func @transform_2(%arg0: i32) -> (i32, i32) {
    %c0_i32 = arith.constant 0 : i32
    %c0_i32_0 = arith.constant 0 : i32
    %c0_i32_1 = arith.constant 0 : i32
    return %c0_i32, %c0_i32_0 : i32, i32
  }
  func.func @transform_3(%arg0: i32) -> (i32, i32) {
    %c0_i32 = arith.constant 0 : i32
    %c0_i32_0 = arith.constant 0 : i32
    %c0_i32_1 = arith.constant 0 : i32
    return %c0_i32, %c0_i32_0 : i32, i32
  }
  func.func @transform_4(%arg0: i32) -> (i32, i32) {
    %c0_i32 = arith.constant 0 : i32
    %c0_i32_0 = arith.constant 0 : i32
    %c0_i32_1 = arith.constant 0 : i32
    return %c0_i32, %c0_i32_0 : i32, i32
  }
  func.func @transform_5(%arg0: i32) -> (i32, i32) {
    %c0_i32 = arith.constant 0 : i32
    %c0_i32_0 = arith.constant 0 : i32
    %c0_i32_1 = arith.constant 0 : i32
    return %c0_i32, %c0_i32_0 : i32, i32
  }
  func.func @transform_6(%arg0: i32) -> (i32, i32) {
    %c0_i32 = arith.constant 0 : i32
    %c0_i32_0 = arith.constant 0 : i32
    %c0_i32_1 = arith.constant 0 : i32
    return %c0_i32, %c0_i32_0 : i32, i32
  }
  func.func @transform_7(%arg0: i32) -> (i32, i32) {
    %c0_i32 = arith.constant 0 : i32
    %c0_i32_0 = arith.constant 0 : i32
    %c0_i32_1 = arith.constant 0 : i32
    return %c0_i32, %c0_i32_0 : i32, i32
  }
  func.func @transform_8(%arg0: i32) -> (i32, i32) {
    %c0_i32 = arith.constant 0 : i32
    %c0_i32_0 = arith.constant 0 : i32
    %c0_i32_1 = arith.constant 0 : i32
    return %c0_i32, %c0_i32_0 : i32, i32
  }
  func.func @transform_9(%arg0: i32) -> (i32, i32) {
    %c0_i32 = arith.constant 0 : i32
    %c0_i32_0 = arith.constant 0 : i32
    %c0_i32_1 = arith.constant 0 : i32
    return %c0_i32, %c0_i32_0 : i32, i32
  }
  func.func @transform_10(%arg0: i32) -> (i32, i32) {
    %c0_i32 = arith.constant 0 : i32
    %c0_i32_0 = arith.constant 0 : i32
    %c0_i32_1 = arith.constant 0 : i32
    return %c0_i32, %c0_i32_0 : i32, i32
  }
  func.func @transform_11(%arg0: i32) -> (i32, i32) {
    %c0_i32 = arith.constant 0 : i32
    %c0_i32_0 = arith.constant 0 : i32
    %c0_i32_1 = arith.constant 0 : i32
    return %c0_i32, %c0_i32_0 : i32, i32
  }
  func.func @transform_12(%arg0: i32) -> (i32, i32) {
    %c0_i32 = arith.constant 0 : i32
    %c0_i32_0 = arith.constant 0 : i32
    %c0_i32_1 = arith.constant 0 : i32
    return %c0_i32, %c0_i32_0 : i32, i32
  }
  func.func @transform_13(%arg0: i32) -> (i32, i32) {
    %c0_i32 = arith.constant 0 : i32
    %c0_i32_0 = arith.constant 0 : i32
    %c0_i32_1 = arith.constant 0 : i32
    return %c0_i32, %c0_i32_0 : i32, i32
  }
  func.func @transform_14(%arg0: i32) -> (i32, i32) {
    %c0_i32 = arith.constant 0 : i32
    %c0_i32_0 = arith.constant 0 : i32
    %c0_i32_1 = arith.constant 0 : i32
    return %c0_i32, %c0_i32_0 : i32, i32
  }
  func.func @transform_15(%arg0: i32) -> (i32, i32) {
    %c0_i32 = arith.constant 0 : i32
    %c0_i32_0 = arith.constant 0 : i32
    %c0_i32_1 = arith.constant 0 : i32
    return %c0_i32, %c0_i32_0 : i32, i32
  }
  func.func @transform_16(%arg0: i32) -> (i32, i32) {
    %c0_i32 = arith.constant 0 : i32
    %c0_i32_0 = arith.constant 0 : i32
    %c0_i32_1 = arith.constant 0 : i32
    return %c0_i32, %c0_i32_0 : i32, i32
  }
  func.func @transform_17(%arg0: i32) -> (i32, i32) {
    %c0_i32 = arith.constant 0 : i32
    %c0_i32_0 = arith.constant 0 : i32
    return %arg0, %c0_i32 : i32, i32
  }
  func.func @transform_18(%arg0: i32) -> (i32, i32) {
    %c0_i32 = arith.constant 0 : i32
    %c0_i32_0 = arith.constant 0 : i32
    %c0_i32_1 = arith.constant 0 : i32
    return %c0_i32, %c0_i32_0 : i32, i32
  }
}

module attributes {stable_mosaic.version = 14 : i64} {
  func.func @_attn_body(%arg0: i32, %arg1: memref<256x128xf32, #tpu.memory_space<vmem>>, %arg2: memref<16x256x128xf32, #tpu.memory_space<vmem>>, %arg3: memref<128x512xf32, #tpu.memory_space<vmem>>, %arg4: memref<32x2048xf32, #tpu.memory_space<vmem>>, %arg5: memref<128x128xf32, #tpu.memory_space<vmem>>, %arg6: memref<128x128xf32, #tpu.memory_space<vmem>>, %arg7: memref<128x128xf32, #tpu.memory_space<vmem>>, %arg8: memref<128x128xf32, #tpu.memory_space<vmem>>, %arg9: memref<1x128xf32, #tpu.memory_space<vmem>>, %arg10: memref<1x128xf32, #tpu.memory_space<vmem>>, %arg11: memref<1x128xf32, #tpu.memory_space<vmem>>, %arg12: memref<1x128xf32, #tpu.memory_space<vmem>>, %arg13: memref<1x128xf32, #tpu.memory_space<vmem>>, %arg14: memref<1x128xf32, #tpu.memory_space<vmem>>, %arg15: memref<1x128xf32, #tpu.memory_space<vmem>>, %arg16: memref<1x128xf32, #tpu.memory_space<vmem>>, %arg17: memref<1x1xf32, #tpu.memory_space<vmem>>, %arg18: memref<256x128xf32, #tpu.memory_space<vmem>>, %arg19: memref<1x2048xf32, #tpu.memory_space<vmem>>) attributes {dimension_semantics = [#tpu.dimension_semantics<arbitrary>], iteration_bounds = array<i64: 8>, scalar_prefetch = 0 : i64, scratch_operands = 0 : i64, tpu.core_type = #tpu.core_type<tc>, window_params = [{transform_indices = @transform_0, window_bounds = array<i64: 256, 128>}, {transform_indices = @transform_1, window_bounds = array<i64: 16, 256, 128>}, {pipeline_mode = #tpu.pipeline_mode<synchronous>, transform_indices = @transform_2, window_bounds = array<i64: 128, 512>}, {pipeline_mode = #tpu.pipeline_mode<synchronous>, transform_indices = @transform_3, window_bounds = array<i64: 32, 2048>}, {pipeline_mode = #tpu.pipeline_mode<synchronous>, transform_indices = @transform_4, window_bounds = array<i64: 128, 128>}, {pipeline_mode = #tpu.pipeline_mode<synchronous>, transform_indices = @transform_5, window_bounds = array<i64: 128, 128>}, {pipeline_mode = #tpu.pipeline_mode<synchronous>, transform_indices = @transform_6, window_bounds = array<i64: 128, 128>}, {pipeline_mode = #tpu.pipeline_mode<synchronous>, transform_indices = @transform_7, window_bounds = array<i64: 128, 128>}, {pipeline_mode = #tpu.pipeline_mode<synchronous>, transform_indices = @transform_8, window_bounds = array<i64: 1, 128>}, {pipeline_mode = #tpu.pipeline_mode<synchronous>, transform_indices = @transform_9, window_bounds = array<i64: 1, 128>}, {pipeline_mode = #tpu.pipeline_mode<synchronous>, transform_indices = @transform_10, window_bounds = array<i64: 1, 128>}, {pipeline_mode = #tpu.pipeline_mode<synchronous>, transform_indices = @transform_11, window_bounds = array<i64: 1, 128>}, {pipeline_mode = #tpu.pipeline_mode<synchronous>, transform_indices = @transform_12, window_bounds = array<i64: 1, 128>}, {pipeline_mode = #tpu.pipeline_mode<synchronous>, transform_indices = @transform_13, window_bounds = array<i64: 1, 128>}, {pipeline_mode = #tpu.pipeline_mode<synchronous>, transform_indices = @transform_14, window_bounds = array<i64: 1, 128>}, {pipeline_mode = #tpu.pipeline_mode<synchronous>, transform_indices = @transform_15, window_bounds = array<i64: 1, 128>}, {pipeline_mode = #tpu.pipeline_mode<synchronous>, transform_indices = @transform_16, window_bounds = array<i64: 1, 1>}, {transform_indices = @transform_17, window_bounds = array<i64: 256, 128>}, {pipeline_mode = #tpu.pipeline_mode<synchronous>, transform_indices = @transform_18, window_bounds = array<i64: 1, 2048>}]} {
    %get3A = arith.constant 0 : index
    %get3A_0 = arith.constant 0 : index
    %get3A_1 = vector.load %arg1[%get3A, %get3A_0] : memref<256x128xf32, #tpu.memory_space<vmem>>, vector<256x128xf32>
    %get3A_2 = arith.constant 0 : index
    %get3A_3 = arith.constant 0 : index
    %get3A_4 = vector.load %arg5[%get3A_2, %get3A_3] : memref<128x128xf32, #tpu.memory_space<vmem>>, vector<128x128xf32>
    %dot_general3A = arith.constant dense<0.000000e+00> : vector<256x128xf32>
    %dot_general3A_5 = tpu.matmul %get3A_1, %get3A_4, %dot_general3A {dimension_numbers = #tpu.dot_dimension_numbers<[1], [0], [0], [1], [0, 0, 1, 1], [], []>, transpose_lhs_hint = false} : vector<256x128xf32>, vector<128x128xf32>, vector<256x128xf32> -> vector<256x128xf32>
    %get3A_6 = arith.constant 0 : index
    %get3A_7 = arith.constant 0 : index
    %get3A_8 = vector.load %arg9[%get3A_6, %get3A_7] : memref<1x128xf32, #tpu.memory_space<vmem>>, vector<1x128xf32>
    %add3A = vector.broadcast %get3A_8 : vector<1x128xf32> to vector<256x128xf32>
    %add3A_9 = arith.addf %dot_general3A_5, %add3A : vector<256x128xf32>
    %get3A_10 = arith.constant 0 : index
    %get3A_11 = arith.constant 0 : index
    %get3A_12 = arith.constant 0 : index
    %get3A_13 = vector.load %arg2[%get3A_10, %get3A_11, %get3A_12] : memref<16x256x128xf32, #tpu.memory_space<vmem>>, vector<16x256x128xf32>
    %reshape3A = vector.shape_cast %get3A_13 : vector<16x256x128xf32> to vector<4096x128xf32>
    %get3A_14 = arith.constant 0 : index
    %get3A_15 = arith.constant 0 : index
    %get3A_16 = vector.load %arg6[%get3A_14, %get3A_15] : memref<128x128xf32, #tpu.memory_space<vmem>>, vector<128x128xf32>
    %dot_general3A_17 = arith.constant dense<0.000000e+00> : vector<4096x128xf32>
    %dot_general3A_18 = tpu.matmul %reshape3A, %get3A_16, %dot_general3A_17 {dimension_numbers = #tpu.dot_dimension_numbers<[1], [0], [0], [1], [0, 0, 1, 1], [], []>, transpose_lhs_hint = false} : vector<4096x128xf32>, vector<128x128xf32>, vector<4096x128xf32> -> vector<4096x128xf32>
    %reshape3A_19 = vector.shape_cast %dot_general3A_18 : vector<4096x128xf32> to vector<16x256x128xf32>
    %get3A_20 = arith.constant 0 : index
    %get3A_21 = arith.constant 0 : index
    %get3A_22 = vector.load %arg7[%get3A_20, %get3A_21] : memref<128x128xf32, #tpu.memory_space<vmem>>, vector<128x128xf32>
    %dot_general3A_23 = arith.constant dense<0.000000e+00> : vector<4096x128xf32>
    %dot_general3A_24 = tpu.matmul %reshape3A, %get3A_22, %dot_general3A_23 {dimension_numbers = #tpu.dot_dimension_numbers<[1], [0], [0], [1], [0, 0, 1, 1], [], []>, transpose_lhs_hint = false} : vector<4096x128xf32>, vector<128x128xf32>, vector<4096x128xf32> -> vector<4096x128xf32>
    %reshape3A_25 = vector.shape_cast %dot_general3A_24 : vector<4096x128xf32> to vector<16x256x128xf32>
    %broadcast_in_dim3A = vector.shape_cast %add3A_9 : vector<256x128xf32> to vector<1x256x128xf32>
    %mul3A = vector.broadcast %broadcast_in_dim3A : vector<1x256x128xf32> to vector<16x256x128xf32>
    %mul3A_26 = arith.mulf %reshape3A_19, %mul3A : vector<16x256x128xf32>
    %get3A_27 = arith.constant 0 : index
    %get3A_28 = arith.constant 0 : index
    %get3A_29 = vector.load %arg3[%get3A_27, %get3A_28] : memref<128x512xf32, #tpu.memory_space<vmem>>, vector<128x512xf32>
    %get3A_30 = arith.constant 0 : index
    %get3A_31 = arith.constant 0 : index
    %get3A_32 = vector.load %arg4[%get3A_30, %get3A_31] : memref<32x2048xf32, #tpu.memory_space<vmem>>, vector<32x2048xf32>
    %slice3A = vector.extract_strided_slice %mul3A_26 {offsets = [0, 0, 0], sizes = [1, 256, 128], strides = [1, 1, 1]} : vector<16x256x128xf32> to vector<1x256x128xf32>
    %squeeze3A = vector.shape_cast %slice3A : vector<1x256x128xf32> to vector<256x128xf32>
    %slice3A_33 = vector.extract_strided_slice %get3A_29 {offsets = [0, 0], sizes = [128, 32], strides = [1, 1]} : vector<128x512xf32> to vector<128x32xf32>
    %dot_general3A_34 = arith.constant dense<0.000000e+00> : vector<256x32xf32>
    %dot_general3A_35 = tpu.matmul %squeeze3A, %slice3A_33, %dot_general3A_34 {dimension_numbers = #tpu.dot_dimension_numbers<[1], [0], [0], [1], [0, 0, 1, 1], [], []>, transpose_lhs_hint = false} : vector<256x128xf32>, vector<128x32xf32>, vector<256x32xf32> -> vector<256x32xf32>
    %slice3A_36 = vector.extract_strided_slice %mul3A_26 {offsets = [1, 0, 0], sizes = [1, 256, 128], strides = [1, 1, 1]} : vector<16x256x128xf32> to vector<1x256x128xf32>
    %squeeze3A_37 = vector.shape_cast %slice3A_36 : vector<1x256x128xf32> to vector<256x128xf32>
    %slice3A_38 = vector.extract_strided_slice %get3A_29 {offsets = [0, 32], sizes = [128, 32], strides = [1, 1]} : vector<128x512xf32> to vector<128x32xf32>
    %dot_general3A_39 = arith.constant dense<0.000000e+00> : vector<256x32xf32>
    %dot_general3A_40 = tpu.matmul %squeeze3A_37, %slice3A_38, %dot_general3A_39 {dimension_numbers = #tpu.dot_dimension_numbers<[1], [0], [0], [1], [0, 0, 1, 1], [], []>, transpose_lhs_hint = false} : vector<256x128xf32>, vector<128x32xf32>, vector<256x32xf32> -> vector<256x32xf32>
    %add3A_41 = arith.addf %dot_general3A_35, %dot_general3A_40 : vector<256x32xf32>
    %slice3A_42 = vector.extract_strided_slice %mul3A_26 {offsets = [2, 0, 0], sizes = [1, 256, 128], strides = [1, 1, 1]} : vector<16x256x128xf32> to vector<1x256x128xf32>
    %squeeze3A_43 = vector.shape_cast %slice3A_42 : vector<1x256x128xf32> to vector<256x128xf32>
    %slice3A_44 = vector.extract_strided_slice %get3A_29 {offsets = [0, 64], sizes = [128, 32], strides = [1, 1]} : vector<128x512xf32> to vector<128x32xf32>
    %dot_general3A_45 = arith.constant dense<0.000000e+00> : vector<256x32xf32>
    %dot_general3A_46 = tpu.matmul %squeeze3A_43, %slice3A_44, %dot_general3A_45 {dimension_numbers = #tpu.dot_dimension_numbers<[1], [0], [0], [1], [0, 0, 1, 1], [], []>, transpose_lhs_hint = false} : vector<256x128xf32>, vector<128x32xf32>, vector<256x32xf32> -> vector<256x32xf32>
    %add3A_47 = arith.addf %add3A_41, %dot_general3A_46 : vector<256x32xf32>
    %slice3A_48 = vector.extract_strided_slice %mul3A_26 {offsets = [3, 0, 0], sizes = [1, 256, 128], strides = [1, 1, 1]} : vector<16x256x128xf32> to vector<1x256x128xf32>
    %squeeze3A_49 = vector.shape_cast %slice3A_48 : vector<1x256x128xf32> to vector<256x128xf32>
    %slice3A_50 = vector.extract_strided_slice %get3A_29 {offsets = [0, 96], sizes = [128, 32], strides = [1, 1]} : vector<128x512xf32> to vector<128x32xf32>
    %dot_general3A_51 = arith.constant dense<0.000000e+00> : vector<256x32xf32>
    %dot_general3A_52 = tpu.matmul %squeeze3A_49, %slice3A_50, %dot_general3A_51 {dimension_numbers = #tpu.dot_dimension_numbers<[1], [0], [0], [1], [0, 0, 1, 1], [], []>, transpose_lhs_hint = false} : vector<256x128xf32>, vector<128x32xf32>, vector<256x32xf32> -> vector<256x32xf32>
    %add3A_53 = arith.addf %add3A_47, %dot_general3A_52 : vector<256x32xf32>
    %slice3A_54 = vector.extract_strided_slice %mul3A_26 {offsets = [4, 0, 0], sizes = [1, 256, 128], strides = [1, 1, 1]} : vector<16x256x128xf32> to vector<1x256x128xf32>
    %squeeze3A_55 = vector.shape_cast %slice3A_54 : vector<1x256x128xf32> to vector<256x128xf32>
    %slice3A_56 = vector.extract_strided_slice %get3A_29 {offsets = [0, 128], sizes = [128, 32], strides = [1, 1]} : vector<128x512xf32> to vector<128x32xf32>
    %dot_general3A_57 = arith.constant dense<0.000000e+00> : vector<256x32xf32>
    %dot_general3A_58 = tpu.matmul %squeeze3A_55, %slice3A_56, %dot_general3A_57 {dimension_numbers = #tpu.dot_dimension_numbers<[1], [0], [0], [1], [0, 0, 1, 1], [], []>, transpose_lhs_hint = false} : vector<256x128xf32>, vector<128x32xf32>, vector<256x32xf32> -> vector<256x32xf32>
    %add3A_59 = arith.addf %add3A_53, %dot_general3A_58 : vector<256x32xf32>
    %slice3A_60 = vector.extract_strided_slice %mul3A_26 {offsets = [5, 0, 0], sizes = [1, 256, 128], strides = [1, 1, 1]} : vector<16x256x128xf32> to vector<1x256x128xf32>
    %squeeze3A_61 = vector.shape_cast %slice3A_60 : vector<1x256x128xf32> to vector<256x128xf32>
    %slice3A_62 = vector.extract_strided_slice %get3A_29 {offsets = [0, 160], sizes = [128, 32], strides = [1, 1]} : vector<128x512xf32> to vector<128x32xf32>
    %dot_general3A_63 = arith.constant dense<0.000000e+00> : vector<256x32xf32>
    %dot_general3A_64 = tpu.matmul %squeeze3A_61, %slice3A_62, %dot_general3A_63 {dimension_numbers = #tpu.dot_dimension_numbers<[1], [0], [0], [1], [0, 0, 1, 1], [], []>, transpose_lhs_hint = false} : vector<256x128xf32>, vector<128x32xf32>, vector<256x32xf32> -> vector<256x32xf32>
    %add3A_65 = arith.addf %add3A_59, %dot_general3A_64 : vector<256x32xf32>
    %slice3A_66 = vector.extract_strided_slice %mul3A_26 {offsets = [6, 0, 0], sizes = [1, 256, 128], strides = [1, 1, 1]} : vector<16x256x128xf32> to vector<1x256x128xf32>
    %squeeze3A_67 = vector.shape_cast %slice3A_66 : vector<1x256x128xf32> to vector<256x128xf32>
    %slice3A_68 = vector.extract_strided_slice %get3A_29 {offsets = [0, 192], sizes = [128, 32], strides = [1, 1]} : vector<128x512xf32> to vector<128x32xf32>
    %dot_general3A_69 = arith.constant dense<0.000000e+00> : vector<256x32xf32>
    %dot_general3A_70 = tpu.matmul %squeeze3A_67, %slice3A_68, %dot_general3A_69 {dimension_numbers = #tpu.dot_dimension_numbers<[1], [0], [0], [1], [0, 0, 1, 1], [], []>, transpose_lhs_hint = false} : vector<256x128xf32>, vector<128x32xf32>, vector<256x32xf32> -> vector<256x32xf32>
    %add3A_71 = arith.addf %add3A_65, %dot_general3A_70 : vector<256x32xf32>
    %slice3A_72 = vector.extract_strided_slice %mul3A_26 {offsets = [7, 0, 0], sizes = [1, 256, 128], strides = [1, 1, 1]} : vector<16x256x128xf32> to vector<1x256x128xf32>
    %squeeze3A_73 = vector.shape_cast %slice3A_72 : vector<1x256x128xf32> to vector<256x128xf32>
    %slice3A_74 = vector.extract_strided_slice %get3A_29 {offsets = [0, 224], sizes = [128, 32], strides = [1, 1]} : vector<128x512xf32> to vector<128x32xf32>
    %dot_general3A_75 = arith.constant dense<0.000000e+00> : vector<256x32xf32>
    %dot_general3A_76 = tpu.matmul %squeeze3A_73, %slice3A_74, %dot_general3A_75 {dimension_numbers = #tpu.dot_dimension_numbers<[1], [0], [0], [1], [0, 0, 1, 1], [], []>, transpose_lhs_hint = false} : vector<256x128xf32>, vector<128x32xf32>, vector<256x32xf32> -> vector<256x32xf32>
    %add3A_77 = arith.addf %add3A_71, %dot_general3A_76 : vector<256x32xf32>
    %slice3A_78 = vector.extract_strided_slice %mul3A_26 {offsets = [8, 0, 0], sizes = [1, 256, 128], strides = [1, 1, 1]} : vector<16x256x128xf32> to vector<1x256x128xf32>
    %squeeze3A_79 = vector.shape_cast %slice3A_78 : vector<1x256x128xf32> to vector<256x128xf32>
    %slice3A_80 = vector.extract_strided_slice %get3A_29 {offsets = [0, 256], sizes = [128, 32], strides = [1, 1]} : vector<128x512xf32> to vector<128x32xf32>
    %dot_general3A_81 = arith.constant dense<0.000000e+00> : vector<256x32xf32>
    %dot_general3A_82 = tpu.matmul %squeeze3A_79, %slice3A_80, %dot_general3A_81 {dimension_numbers = #tpu.dot_dimension_numbers<[1], [0], [0], [1], [0, 0, 1, 1], [], []>, transpose_lhs_hint = false} : vector<256x128xf32>, vector<128x32xf32>, vector<256x32xf32> -> vector<256x32xf32>
    %add3A_83 = arith.addf %add3A_77, %dot_general3A_82 : vector<256x32xf32>
    %slice3A_84 = vector.extract_strided_slice %mul3A_26 {offsets = [9, 0, 0], sizes = [1, 256, 128], strides = [1, 1, 1]} : vector<16x256x128xf32> to vector<1x256x128xf32>
    %squeeze3A_85 = vector.shape_cast %slice3A_84 : vector<1x256x128xf32> to vector<256x128xf32>
    %slice3A_86 = vector.extract_strided_slice %get3A_29 {offsets = [0, 288], sizes = [128, 32], strides = [1, 1]} : vector<128x512xf32> to vector<128x32xf32>
    %dot_general3A_87 = arith.constant dense<0.000000e+00> : vector<256x32xf32>
    %dot_general3A_88 = tpu.matmul %squeeze3A_85, %slice3A_86, %dot_general3A_87 {dimension_numbers = #tpu.dot_dimension_numbers<[1], [0], [0], [1], [0, 0, 1, 1], [], []>, transpose_lhs_hint = false} : vector<256x128xf32>, vector<128x32xf32>, vector<256x32xf32> -> vector<256x32xf32>
    %add3A_89 = arith.addf %add3A_83, %dot_general3A_88 : vector<256x32xf32>
    %slice3A_90 = vector.extract_strided_slice %mul3A_26 {offsets = [10, 0, 0], sizes = [1, 256, 128], strides = [1, 1, 1]} : vector<16x256x128xf32> to vector<1x256x128xf32>
    %squeeze3A_91 = vector.shape_cast %slice3A_90 : vector<1x256x128xf32> to vector<256x128xf32>
    %slice3A_92 = vector.extract_strided_slice %get3A_29 {offsets = [0, 320], sizes = [128, 32], strides = [1, 1]} : vector<128x512xf32> to vector<128x32xf32>
    %dot_general3A_93 = arith.constant dense<0.000000e+00> : vector<256x32xf32>
    %dot_general3A_94 = tpu.matmul %squeeze3A_91, %slice3A_92, %dot_general3A_93 {dimension_numbers = #tpu.dot_dimension_numbers<[1], [0], [0], [1], [0, 0, 1, 1], [], []>, transpose_lhs_hint = false} : vector<256x128xf32>, vector<128x32xf32>, vector<256x32xf32> -> vector<256x32xf32>
    %add3A_95 = arith.addf %add3A_89, %dot_general3A_94 : vector<256x32xf32>
    %slice3A_96 = vector.extract_strided_slice %mul3A_26 {offsets = [11, 0, 0], sizes = [1, 256, 128], strides = [1, 1, 1]} : vector<16x256x128xf32> to vector<1x256x128xf32>
    %squeeze3A_97 = vector.shape_cast %slice3A_96 : vector<1x256x128xf32> to vector<256x128xf32>
    %slice3A_98 = vector.extract_strided_slice %get3A_29 {offsets = [0, 352], sizes = [128, 32], strides = [1, 1]} : vector<128x512xf32> to vector<128x32xf32>
    %dot_general3A_99 = arith.constant dense<0.000000e+00> : vector<256x32xf32>
    %dot_general3A_100 = tpu.matmul %squeeze3A_97, %slice3A_98, %dot_general3A_99 {dimension_numbers = #tpu.dot_dimension_numbers<[1], [0], [0], [1], [0, 0, 1, 1], [], []>, transpose_lhs_hint = false} : vector<256x128xf32>, vector<128x32xf32>, vector<256x32xf32> -> vector<256x32xf32>
    %add3A_101 = arith.addf %add3A_95, %dot_general3A_100 : vector<256x32xf32>
    %slice3A_102 = vector.extract_strided_slice %mul3A_26 {offsets = [12, 0, 0], sizes = [1, 256, 128], strides = [1, 1, 1]} : vector<16x256x128xf32> to vector<1x256x128xf32>
    %squeeze3A_103 = vector.shape_cast %slice3A_102 : vector<1x256x128xf32> to vector<256x128xf32>
    %slice3A_104 = vector.extract_strided_slice %get3A_29 {offsets = [0, 384], sizes = [128, 32], strides = [1, 1]} : vector<128x512xf32> to vector<128x32xf32>
    %dot_general3A_105 = arith.constant dense<0.000000e+00> : vector<256x32xf32>
    %dot_general3A_106 = tpu.matmul %squeeze3A_103, %slice3A_104, %dot_general3A_105 {dimension_numbers = #tpu.dot_dimension_numbers<[1], [0], [0], [1], [0, 0, 1, 1], [], []>, transpose_lhs_hint = false} : vector<256x128xf32>, vector<128x32xf32>, vector<256x32xf32> -> vector<256x32xf32>
    %add3A_107 = arith.addf %add3A_101, %dot_general3A_106 : vector<256x32xf32>
    %slice3A_108 = vector.extract_strided_slice %mul3A_26 {offsets = [13, 0, 0], sizes = [1, 256, 128], strides = [1, 1, 1]} : vector<16x256x128xf32> to vector<1x256x128xf32>
    %squeeze3A_109 = vector.shape_cast %slice3A_108 : vector<1x256x128xf32> to vector<256x128xf32>
    %slice3A_110 = vector.extract_strided_slice %get3A_29 {offsets = [0, 416], sizes = [128, 32], strides = [1, 1]} : vector<128x512xf32> to vector<128x32xf32>
    %dot_general3A_111 = arith.constant dense<0.000000e+00> : vector<256x32xf32>
    %dot_general3A_112 = tpu.matmul %squeeze3A_109, %slice3A_110, %dot_general3A_111 {dimension_numbers = #tpu.dot_dimension_numbers<[1], [0], [0], [1], [0, 0, 1, 1], [], []>, transpose_lhs_hint = false} : vector<256x128xf32>, vector<128x32xf32>, vector<256x32xf32> -> vector<256x32xf32>
    %add3A_113 = arith.addf %add3A_107, %dot_general3A_112 : vector<256x32xf32>
    %slice3A_114 = vector.extract_strided_slice %mul3A_26 {offsets = [14, 0, 0], sizes = [1, 256, 128], strides = [1, 1, 1]} : vector<16x256x128xf32> to vector<1x256x128xf32>
    %squeeze3A_115 = vector.shape_cast %slice3A_114 : vector<1x256x128xf32> to vector<256x128xf32>
    %slice3A_116 = vector.extract_strided_slice %get3A_29 {offsets = [0, 448], sizes = [128, 32], strides = [1, 1]} : vector<128x512xf32> to vector<128x32xf32>
    %dot_general3A_117 = arith.constant dense<0.000000e+00> : vector<256x32xf32>
    %dot_general3A_118 = tpu.matmul %squeeze3A_115, %slice3A_116, %dot_general3A_117 {dimension_numbers = #tpu.dot_dimension_numbers<[1], [0], [0], [1], [0, 0, 1, 1], [], []>, transpose_lhs_hint = false} : vector<256x128xf32>, vector<128x32xf32>, vector<256x32xf32> -> vector<256x32xf32>
    %add3A_119 = arith.addf %add3A_113, %dot_general3A_118 : vector<256x32xf32>
    %slice3A_120 = vector.extract_strided_slice %mul3A_26 {offsets = [15, 0, 0], sizes = [1, 256, 128], strides = [1, 1, 1]} : vector<16x256x128xf32> to vector<1x256x128xf32>
    %squeeze3A_121 = vector.shape_cast %slice3A_120 : vector<1x256x128xf32> to vector<256x128xf32>
    %slice3A_122 = vector.extract_strided_slice %get3A_29 {offsets = [0, 480], sizes = [128, 32], strides = [1, 1]} : vector<128x512xf32> to vector<128x32xf32>
    %dot_general3A_123 = arith.constant dense<0.000000e+00> : vector<256x32xf32>
    %dot_general3A_124 = tpu.matmul %squeeze3A_121, %slice3A_122, %dot_general3A_123 {dimension_numbers = #tpu.dot_dimension_numbers<[1], [0], [0], [1], [0, 0, 1, 1], [], []>, transpose_lhs_hint = false} : vector<256x128xf32>, vector<128x32xf32>, vector<256x32xf32> -> vector<256x32xf32>
    %add3A_125 = arith.addf %add3A_119, %dot_general3A_124 : vector<256x32xf32>
    %slice3A_126 = vector.extract_strided_slice %add3A_125 {offsets = [0, 0], sizes = [256, 16], strides = [1, 1]} : vector<256x32xf32> to vector<256x16xf32>
    %reduce_max3A = arith.constant dense<0xFF800000> : vector<256xf32>
    %reduce_max3A_127 = vector.multi_reduction <maximumf>, %slice3A_126, %reduce_max3A [1] : vector<256x16xf32> to vector<256xf32>
    %broadcast_in_dim3A_128 = vector.shape_cast %reduce_max3A_127 : vector<256xf32> to vector<256x1xf32>
    %slice3A_129 = vector.extract_strided_slice %add3A_125 {offsets = [0, 16], sizes = [256, 16], strides = [1, 1]} : vector<256x32xf32> to vector<256x16xf32>
    %reduce_max3A_130 = arith.constant dense<0xFF800000> : vector<256xf32>
    %reduce_max3A_131 = vector.multi_reduction <maximumf>, %slice3A_129, %reduce_max3A_130 [1] : vector<256x16xf32> to vector<256xf32>
    %broadcast_in_dim3A_132 = vector.shape_cast %reduce_max3A_131 : vector<256xf32> to vector<256x1xf32>
    %broadcast_in_dim3A_133 = vector.shape_cast %broadcast_in_dim3A_128 : vector<256x1xf32> to vector<256x1xf32>
    %broadcast_in_dim3A_134 = vector.broadcast %broadcast_in_dim3A_133 : vector<256x1xf32> to vector<256x16xf32>
    %broadcast_in_dim3A_135 = vector.shape_cast %broadcast_in_dim3A_132 : vector<256x1xf32> to vector<256x1xf32>
    %broadcast_in_dim3A_136 = vector.broadcast %broadcast_in_dim3A_135 : vector<256x1xf32> to vector<256x16xf32>
    %concatenate3A = tpu.concatenate %broadcast_in_dim3A_134, %broadcast_in_dim3A_136 in 1 : vector<256x16xf32>, vector<256x16xf32> -> vector<256x32xf32>
    %sub3A = arith.subf %add3A_125, %concatenate3A : vector<256x32xf32>
    %exp3A = math.exp %sub3A : vector<256x32xf32>
    %slice3A_137 = vector.extract_strided_slice %exp3A {offsets = [0, 0], sizes = [256, 16], strides = [1, 1]} : vector<256x32xf32> to vector<256x16xf32>
    %reduce_sum3A = arith.constant dense<0.000000e+00> : vector<256xf32>
    %reduce_sum3A_138 = vector.multi_reduction <add>, %slice3A_137, %reduce_sum3A [1] : vector<256x16xf32> to vector<256xf32>
    %broadcast_in_dim3A_139 = vector.shape_cast %reduce_sum3A_138 : vector<256xf32> to vector<256x1xf32>
    %slice3A_140 = vector.extract_strided_slice %exp3A {offsets = [0, 16], sizes = [256, 16], strides = [1, 1]} : vector<256x32xf32> to vector<256x16xf32>
    %reduce_sum3A_141 = arith.constant dense<0.000000e+00> : vector<256xf32>
    %reduce_sum3A_142 = vector.multi_reduction <add>, %slice3A_140, %reduce_sum3A_141 [1] : vector<256x16xf32> to vector<256xf32>
    %broadcast_in_dim3A_143 = vector.shape_cast %reduce_sum3A_142 : vector<256xf32> to vector<256x1xf32>
    %broadcast_in_dim3A_144 = vector.shape_cast %broadcast_in_dim3A_139 : vector<256x1xf32> to vector<256x1xf32>
    %broadcast_in_dim3A_145 = vector.broadcast %broadcast_in_dim3A_144 : vector<256x1xf32> to vector<256x16xf32>
    %broadcast_in_dim3A_146 = vector.shape_cast %broadcast_in_dim3A_143 : vector<256x1xf32> to vector<256x1xf32>
    %broadcast_in_dim3A_147 = vector.broadcast %broadcast_in_dim3A_146 : vector<256x1xf32> to vector<256x16xf32>
    %concatenate3A_148 = tpu.concatenate %broadcast_in_dim3A_145, %broadcast_in_dim3A_147 in 1 : vector<256x16xf32>, vector<256x16xf32> -> vector<256x32xf32>
    %add3A_149 = arith.constant 1.000000e-16 : f32
    %add3A_150 = vector.broadcast %add3A_149 : f32 to vector<256x32xf32>
    %add3A_151 = arith.addf %concatenate3A_148, %add3A_150 : vector<256x32xf32>
    %div3A = arith.divf %exp3A, %add3A_151 : vector<256x32xf32>
    %get3A_152 = arith.constant 0 : index
    %get3A_153 = arith.constant 0 : index
    %get3A_154 = vector.load %arg10[%get3A_152, %get3A_153] : memref<1x128xf32, #tpu.memory_space<vmem>>, vector<1x128xf32>
    %get3A_155 = arith.constant 0 : index
    %get3A_156 = arith.constant 0 : index
    %get3A_157 = vector.load %arg8[%get3A_155, %get3A_156] : memref<128x128xf32, #tpu.memory_space<vmem>>, vector<128x128xf32>
    %dot_general3A_158 = arith.constant dense<0.000000e+00> : vector<256x128xf32>
    %dot_general3A_159 = tpu.matmul %get3A_1, %get3A_157, %dot_general3A_158 {dimension_numbers = #tpu.dot_dimension_numbers<[1], [0], [0], [1], [0, 0, 1, 1], [], []>, transpose_lhs_hint = false} : vector<256x128xf32>, vector<128x128xf32>, vector<256x128xf32> -> vector<256x128xf32>
    %add3A_160 = vector.broadcast %get3A_154 : vector<1x128xf32> to vector<256x128xf32>
    %add3A_161 = arith.addf %add3A_160, %dot_general3A_159 : vector<256x128xf32>
    %get3A_162 = arith.constant 0 : index
    %get3A_163 = arith.constant 0 : index
    %get3A_164 = vector.load %arg11[%get3A_162, %get3A_163] : memref<1x128xf32, #tpu.memory_space<vmem>>, vector<1x128xf32>
    %add3A_165 = vector.broadcast %get3A_164 : vector<1x128xf32> to vector<256x128xf32>
    %add3A_166 = arith.addf %add3A_161, %add3A_165 : vector<256x128xf32>
    %slice3A_167 = vector.extract_strided_slice %get3A_32 {offsets = [0, 0], sizes = [32, 128], strides = [1, 1]} : vector<32x2048xf32> to vector<32x128xf32>
    %dot_general3A_168 = arith.constant dense<0.000000e+00> : vector<256x128xf32>
    %dot_general3A_169 = tpu.matmul %div3A, %slice3A_167, %dot_general3A_168 {dimension_numbers = #tpu.dot_dimension_numbers<[1], [0], [0], [1], [0, 0, 1, 1], [], []>, transpose_lhs_hint = false} : vector<256x32xf32>, vector<32x128xf32>, vector<256x128xf32> -> vector<256x128xf32>
    %slice3A_170 = vector.extract_strided_slice %reshape3A_25 {offsets = [0, 0, 0], sizes = [1, 256, 128], strides = [1, 1, 1]} : vector<16x256x128xf32> to vector<1x256x128xf32>
    %squeeze3A_171 = vector.shape_cast %slice3A_170 : vector<1x256x128xf32> to vector<256x128xf32>
    %mul3A_172 = arith.mulf %dot_general3A_169, %squeeze3A_171 : vector<256x128xf32>
    %add3A_173 = arith.addf %add3A_166, %mul3A_172 : vector<256x128xf32>
    %slice3A_174 = vector.extract_strided_slice %get3A_32 {offsets = [0, 128], sizes = [32, 128], strides = [1, 1]} : vector<32x2048xf32> to vector<32x128xf32>
    %dot_general3A_175 = arith.constant dense<0.000000e+00> : vector<256x128xf32>
    %dot_general3A_176 = tpu.matmul %div3A, %slice3A_174, %dot_general3A_175 {dimension_numbers = #tpu.dot_dimension_numbers<[1], [0], [0], [1], [0, 0, 1, 1], [], []>, transpose_lhs_hint = false} : vector<256x32xf32>, vector<32x128xf32>, vector<256x128xf32> -> vector<256x128xf32>
    %slice3A_177 = vector.extract_strided_slice %reshape3A_25 {offsets = [1, 0, 0], sizes = [1, 256, 128], strides = [1, 1, 1]} : vector<16x256x128xf32> to vector<1x256x128xf32>
    %squeeze3A_178 = vector.shape_cast %slice3A_177 : vector<1x256x128xf32> to vector<256x128xf32>
    %mul3A_179 = arith.mulf %dot_general3A_176, %squeeze3A_178 : vector<256x128xf32>
    %add3A_180 = arith.addf %add3A_173, %mul3A_179 : vector<256x128xf32>
    %slice3A_181 = vector.extract_strided_slice %get3A_32 {offsets = [0, 256], sizes = [32, 128], strides = [1, 1]} : vector<32x2048xf32> to vector<32x128xf32>
    %dot_general3A_182 = arith.constant dense<0.000000e+00> : vector<256x128xf32>
    %dot_general3A_183 = tpu.matmul %div3A, %slice3A_181, %dot_general3A_182 {dimension_numbers = #tpu.dot_dimension_numbers<[1], [0], [0], [1], [0, 0, 1, 1], [], []>, transpose_lhs_hint = false} : vector<256x32xf32>, vector<32x128xf32>, vector<256x128xf32> -> vector<256x128xf32>
    %slice3A_184 = vector.extract_strided_slice %reshape3A_25 {offsets = [2, 0, 0], sizes = [1, 256, 128], strides = [1, 1, 1]} : vector<16x256x128xf32> to vector<1x256x128xf32>
    %squeeze3A_185 = vector.shape_cast %slice3A_184 : vector<1x256x128xf32> to vector<256x128xf32>
    %mul3A_186 = arith.mulf %dot_general3A_183, %squeeze3A_185 : vector<256x128xf32>
    %add3A_187 = arith.addf %add3A_180, %mul3A_186 : vector<256x128xf32>
    %slice3A_188 = vector.extract_strided_slice %get3A_32 {offsets = [0, 384], sizes = [32, 128], strides = [1, 1]} : vector<32x2048xf32> to vector<32x128xf32>
    %dot_general3A_189 = arith.constant dense<0.000000e+00> : vector<256x128xf32>
    %dot_general3A_190 = tpu.matmul %div3A, %slice3A_188, %dot_general3A_189 {dimension_numbers = #tpu.dot_dimension_numbers<[1], [0], [0], [1], [0, 0, 1, 1], [], []>, transpose_lhs_hint = false} : vector<256x32xf32>, vector<32x128xf32>, vector<256x128xf32> -> vector<256x128xf32>
    %slice3A_191 = vector.extract_strided_slice %reshape3A_25 {offsets = [3, 0, 0], sizes = [1, 256, 128], strides = [1, 1, 1]} : vector<16x256x128xf32> to vector<1x256x128xf32>
    %squeeze3A_192 = vector.shape_cast %slice3A_191 : vector<1x256x128xf32> to vector<256x128xf32>
    %mul3A_193 = arith.mulf %dot_general3A_190, %squeeze3A_192 : vector<256x128xf32>
    %add3A_194 = arith.addf %add3A_187, %mul3A_193 : vector<256x128xf32>
    %slice3A_195 = vector.extract_strided_slice %get3A_32 {offsets = [0, 512], sizes = [32, 128], strides = [1, 1]} : vector<32x2048xf32> to vector<32x128xf32>
    %dot_general3A_196 = arith.constant dense<0.000000e+00> : vector<256x128xf32>
    %dot_general3A_197 = tpu.matmul %div3A, %slice3A_195, %dot_general3A_196 {dimension_numbers = #tpu.dot_dimension_numbers<[1], [0], [0], [1], [0, 0, 1, 1], [], []>, transpose_lhs_hint = false} : vector<256x32xf32>, vector<32x128xf32>, vector<256x128xf32> -> vector<256x128xf32>
    %slice3A_198 = vector.extract_strided_slice %reshape3A_25 {offsets = [4, 0, 0], sizes = [1, 256, 128], strides = [1, 1, 1]} : vector<16x256x128xf32> to vector<1x256x128xf32>
    %squeeze3A_199 = vector.shape_cast %slice3A_198 : vector<1x256x128xf32> to vector<256x128xf32>
    %mul3A_200 = arith.mulf %dot_general3A_197, %squeeze3A_199 : vector<256x128xf32>
    %add3A_201 = arith.addf %add3A_194, %mul3A_200 : vector<256x128xf32>
    %slice3A_202 = vector.extract_strided_slice %get3A_32 {offsets = [0, 640], sizes = [32, 128], strides = [1, 1]} : vector<32x2048xf32> to vector<32x128xf32>
    %dot_general3A_203 = arith.constant dense<0.000000e+00> : vector<256x128xf32>
    %dot_general3A_204 = tpu.matmul %div3A, %slice3A_202, %dot_general3A_203 {dimension_numbers = #tpu.dot_dimension_numbers<[1], [0], [0], [1], [0, 0, 1, 1], [], []>, transpose_lhs_hint = false} : vector<256x32xf32>, vector<32x128xf32>, vector<256x128xf32> -> vector<256x128xf32>
    %slice3A_205 = vector.extract_strided_slice %reshape3A_25 {offsets = [5, 0, 0], sizes = [1, 256, 128], strides = [1, 1, 1]} : vector<16x256x128xf32> to vector<1x256x128xf32>
    %squeeze3A_206 = vector.shape_cast %slice3A_205 : vector<1x256x128xf32> to vector<256x128xf32>
    %mul3A_207 = arith.mulf %dot_general3A_204, %squeeze3A_206 : vector<256x128xf32>
    %add3A_208 = arith.addf %add3A_201, %mul3A_207 : vector<256x128xf32>
    %slice3A_209 = vector.extract_strided_slice %get3A_32 {offsets = [0, 768], sizes = [32, 128], strides = [1, 1]} : vector<32x2048xf32> to vector<32x128xf32>
    %dot_general3A_210 = arith.constant dense<0.000000e+00> : vector<256x128xf32>
    %dot_general3A_211 = tpu.matmul %div3A, %slice3A_209, %dot_general3A_210 {dimension_numbers = #tpu.dot_dimension_numbers<[1], [0], [0], [1], [0, 0, 1, 1], [], []>, transpose_lhs_hint = false} : vector<256x32xf32>, vector<32x128xf32>, vector<256x128xf32> -> vector<256x128xf32>
    %slice3A_212 = vector.extract_strided_slice %reshape3A_25 {offsets = [6, 0, 0], sizes = [1, 256, 128], strides = [1, 1, 1]} : vector<16x256x128xf32> to vector<1x256x128xf32>
    %squeeze3A_213 = vector.shape_cast %slice3A_212 : vector<1x256x128xf32> to vector<256x128xf32>
    %mul3A_214 = arith.mulf %dot_general3A_211, %squeeze3A_213 : vector<256x128xf32>
    %add3A_215 = arith.addf %add3A_208, %mul3A_214 : vector<256x128xf32>
    %slice3A_216 = vector.extract_strided_slice %get3A_32 {offsets = [0, 896], sizes = [32, 128], strides = [1, 1]} : vector<32x2048xf32> to vector<32x128xf32>
    %dot_general3A_217 = arith.constant dense<0.000000e+00> : vector<256x128xf32>
    %dot_general3A_218 = tpu.matmul %div3A, %slice3A_216, %dot_general3A_217 {dimension_numbers = #tpu.dot_dimension_numbers<[1], [0], [0], [1], [0, 0, 1, 1], [], []>, transpose_lhs_hint = false} : vector<256x32xf32>, vector<32x128xf32>, vector<256x128xf32> -> vector<256x128xf32>
    %slice3A_219 = vector.extract_strided_slice %reshape3A_25 {offsets = [7, 0, 0], sizes = [1, 256, 128], strides = [1, 1, 1]} : vector<16x256x128xf32> to vector<1x256x128xf32>
    %squeeze3A_220 = vector.shape_cast %slice3A_219 : vector<1x256x128xf32> to vector<256x128xf32>
    %mul3A_221 = arith.mulf %dot_general3A_218, %squeeze3A_220 : vector<256x128xf32>
    %add3A_222 = arith.addf %add3A_215, %mul3A_221 : vector<256x128xf32>
    %slice3A_223 = vector.extract_strided_slice %get3A_32 {offsets = [0, 1024], sizes = [32, 128], strides = [1, 1]} : vector<32x2048xf32> to vector<32x128xf32>
    %dot_general3A_224 = arith.constant dense<0.000000e+00> : vector<256x128xf32>
    %dot_general3A_225 = tpu.matmul %div3A, %slice3A_223, %dot_general3A_224 {dimension_numbers = #tpu.dot_dimension_numbers<[1], [0], [0], [1], [0, 0, 1, 1], [], []>, transpose_lhs_hint = false} : vector<256x32xf32>, vector<32x128xf32>, vector<256x128xf32> -> vector<256x128xf32>
    %slice3A_226 = vector.extract_strided_slice %reshape3A_25 {offsets = [8, 0, 0], sizes = [1, 256, 128], strides = [1, 1, 1]} : vector<16x256x128xf32> to vector<1x256x128xf32>
    %squeeze3A_227 = vector.shape_cast %slice3A_226 : vector<1x256x128xf32> to vector<256x128xf32>
    %mul3A_228 = arith.mulf %dot_general3A_225, %squeeze3A_227 : vector<256x128xf32>
    %add3A_229 = arith.addf %add3A_222, %mul3A_228 : vector<256x128xf32>
    %slice3A_230 = vector.extract_strided_slice %get3A_32 {offsets = [0, 1152], sizes = [32, 128], strides = [1, 1]} : vector<32x2048xf32> to vector<32x128xf32>
    %dot_general3A_231 = arith.constant dense<0.000000e+00> : vector<256x128xf32>
    %dot_general3A_232 = tpu.matmul %div3A, %slice3A_230, %dot_general3A_231 {dimension_numbers = #tpu.dot_dimension_numbers<[1], [0], [0], [1], [0, 0, 1, 1], [], []>, transpose_lhs_hint = false} : vector<256x32xf32>, vector<32x128xf32>, vector<256x128xf32> -> vector<256x128xf32>
    %slice3A_233 = vector.extract_strided_slice %reshape3A_25 {offsets = [9, 0, 0], sizes = [1, 256, 128], strides = [1, 1, 1]} : vector<16x256x128xf32> to vector<1x256x128xf32>
    %squeeze3A_234 = vector.shape_cast %slice3A_233 : vector<1x256x128xf32> to vector<256x128xf32>
    %mul3A_235 = arith.mulf %dot_general3A_232, %squeeze3A_234 : vector<256x128xf32>
    %add3A_236 = arith.addf %add3A_229, %mul3A_235 : vector<256x128xf32>
    %slice3A_237 = vector.extract_strided_slice %get3A_32 {offsets = [0, 1280], sizes = [32, 128], strides = [1, 1]} : vector<32x2048xf32> to vector<32x128xf32>
    %dot_general3A_238 = arith.constant dense<0.000000e+00> : vector<256x128xf32>
    %dot_general3A_239 = tpu.matmul %div3A, %slice3A_237, %dot_general3A_238 {dimension_numbers = #tpu.dot_dimension_numbers<[1], [0], [0], [1], [0, 0, 1, 1], [], []>, transpose_lhs_hint = false} : vector<256x32xf32>, vector<32x128xf32>, vector<256x128xf32> -> vector<256x128xf32>
    %slice3A_240 = vector.extract_strided_slice %reshape3A_25 {offsets = [10, 0, 0], sizes = [1, 256, 128], strides = [1, 1, 1]} : vector<16x256x128xf32> to vector<1x256x128xf32>
    %squeeze3A_241 = vector.shape_cast %slice3A_240 : vector<1x256x128xf32> to vector<256x128xf32>
    %mul3A_242 = arith.mulf %dot_general3A_239, %squeeze3A_241 : vector<256x128xf32>
    %add3A_243 = arith.addf %add3A_236, %mul3A_242 : vector<256x128xf32>
    %slice3A_244 = vector.extract_strided_slice %get3A_32 {offsets = [0, 1408], sizes = [32, 128], strides = [1, 1]} : vector<32x2048xf32> to vector<32x128xf32>
    %dot_general3A_245 = arith.constant dense<0.000000e+00> : vector<256x128xf32>
    %dot_general3A_246 = tpu.matmul %div3A, %slice3A_244, %dot_general3A_245 {dimension_numbers = #tpu.dot_dimension_numbers<[1], [0], [0], [1], [0, 0, 1, 1], [], []>, transpose_lhs_hint = false} : vector<256x32xf32>, vector<32x128xf32>, vector<256x128xf32> -> vector<256x128xf32>
    %slice3A_247 = vector.extract_strided_slice %reshape3A_25 {offsets = [11, 0, 0], sizes = [1, 256, 128], strides = [1, 1, 1]} : vector<16x256x128xf32> to vector<1x256x128xf32>
    %squeeze3A_248 = vector.shape_cast %slice3A_247 : vector<1x256x128xf32> to vector<256x128xf32>
    %mul3A_249 = arith.mulf %dot_general3A_246, %squeeze3A_248 : vector<256x128xf32>
    %add3A_250 = arith.addf %add3A_243, %mul3A_249 : vector<256x128xf32>
    %slice3A_251 = vector.extract_strided_slice %get3A_32 {offsets = [0, 1536], sizes = [32, 128], strides = [1, 1]} : vector<32x2048xf32> to vector<32x128xf32>
    %dot_general3A_252 = arith.constant dense<0.000000e+00> : vector<256x128xf32>
    %dot_general3A_253 = tpu.matmul %div3A, %slice3A_251, %dot_general3A_252 {dimension_numbers = #tpu.dot_dimension_numbers<[1], [0], [0], [1], [0, 0, 1, 1], [], []>, transpose_lhs_hint = false} : vector<256x32xf32>, vector<32x128xf32>, vector<256x128xf32> -> vector<256x128xf32>
    %slice3A_254 = vector.extract_strided_slice %reshape3A_25 {offsets = [12, 0, 0], sizes = [1, 256, 128], strides = [1, 1, 1]} : vector<16x256x128xf32> to vector<1x256x128xf32>
    %squeeze3A_255 = vector.shape_cast %slice3A_254 : vector<1x256x128xf32> to vector<256x128xf32>
    %mul3A_256 = arith.mulf %dot_general3A_253, %squeeze3A_255 : vector<256x128xf32>
    %add3A_257 = arith.addf %add3A_250, %mul3A_256 : vector<256x128xf32>
    %slice3A_258 = vector.extract_strided_slice %get3A_32 {offsets = [0, 1664], sizes = [32, 128], strides = [1, 1]} : vector<32x2048xf32> to vector<32x128xf32>
    %dot_general3A_259 = arith.constant dense<0.000000e+00> : vector<256x128xf32>
    %dot_general3A_260 = tpu.matmul %div3A, %slice3A_258, %dot_general3A_259 {dimension_numbers = #tpu.dot_dimension_numbers<[1], [0], [0], [1], [0, 0, 1, 1], [], []>, transpose_lhs_hint = false} : vector<256x32xf32>, vector<32x128xf32>, vector<256x128xf32> -> vector<256x128xf32>
    %slice3A_261 = vector.extract_strided_slice %reshape3A_25 {offsets = [13, 0, 0], sizes = [1, 256, 128], strides = [1, 1, 1]} : vector<16x256x128xf32> to vector<1x256x128xf32>
    %squeeze3A_262 = vector.shape_cast %slice3A_261 : vector<1x256x128xf32> to vector<256x128xf32>
    %mul3A_263 = arith.mulf %dot_general3A_260, %squeeze3A_262 : vector<256x128xf32>
    %add3A_264 = arith.addf %add3A_257, %mul3A_263 : vector<256x128xf32>
    %slice3A_265 = vector.extract_strided_slice %get3A_32 {offsets = [0, 1792], sizes = [32, 128], strides = [1, 1]} : vector<32x2048xf32> to vector<32x128xf32>
    %dot_general3A_266 = arith.constant dense<0.000000e+00> : vector<256x128xf32>
    %dot_general3A_267 = tpu.matmul %div3A, %slice3A_265, %dot_general3A_266 {dimension_numbers = #tpu.dot_dimension_numbers<[1], [0], [0], [1], [0, 0, 1, 1], [], []>, transpose_lhs_hint = false} : vector<256x32xf32>, vector<32x128xf32>, vector<256x128xf32> -> vector<256x128xf32>
    %slice3A_268 = vector.extract_strided_slice %reshape3A_25 {offsets = [14, 0, 0], sizes = [1, 256, 128], strides = [1, 1, 1]} : vector<16x256x128xf32> to vector<1x256x128xf32>
    %squeeze3A_269 = vector.shape_cast %slice3A_268 : vector<1x256x128xf32> to vector<256x128xf32>
    %mul3A_270 = arith.mulf %dot_general3A_267, %squeeze3A_269 : vector<256x128xf32>
    %add3A_271 = arith.addf %add3A_264, %mul3A_270 : vector<256x128xf32>
    %slice3A_272 = vector.extract_strided_slice %get3A_32 {offsets = [0, 1920], sizes = [32, 128], strides = [1, 1]} : vector<32x2048xf32> to vector<32x128xf32>
    %dot_general3A_273 = arith.constant dense<0.000000e+00> : vector<256x128xf32>
    %dot_general3A_274 = tpu.matmul %div3A, %slice3A_272, %dot_general3A_273 {dimension_numbers = #tpu.dot_dimension_numbers<[1], [0], [0], [1], [0, 0, 1, 1], [], []>, transpose_lhs_hint = false} : vector<256x32xf32>, vector<32x128xf32>, vector<256x128xf32> -> vector<256x128xf32>
    %slice3A_275 = vector.extract_strided_slice %reshape3A_25 {offsets = [15, 0, 0], sizes = [1, 256, 128], strides = [1, 1, 1]} : vector<16x256x128xf32> to vector<1x256x128xf32>
    %squeeze3A_276 = vector.shape_cast %slice3A_275 : vector<1x256x128xf32> to vector<256x128xf32>
    %mul3A_277 = arith.mulf %dot_general3A_274, %squeeze3A_276 : vector<256x128xf32>
    %add3A_278 = arith.addf %add3A_271, %mul3A_277 : vector<256x128xf32>
    %get3A_279 = arith.constant 0 : index
    %get3A_280 = arith.constant 0 : index
    %get3A_281 = vector.load %arg15[%get3A_279, %get3A_280] : memref<1x128xf32, #tpu.memory_space<vmem>>, vector<1x128xf32>
    %add3A_282 = arith.constant 9.99999974E-6 : f32
    %add3A_283 = vector.broadcast %add3A_282 : f32 to vector<1x128xf32>
    %add3A_284 = arith.addf %get3A_281, %add3A_283 : vector<1x128xf32>
    %rsqrt3A = math.rsqrt %add3A_284 : vector<1x128xf32>
    %get3A_285 = arith.constant 0 : index
    %get3A_286 = arith.constant 0 : index
    %get3A_287 = vector.load %arg14[%get3A_285, %get3A_286] : memref<1x128xf32, #tpu.memory_space<vmem>>, vector<1x128xf32>
    %sub3A_288 = vector.broadcast %get3A_287 : vector<1x128xf32> to vector<256x128xf32>
    %sub3A_289 = arith.subf %add3A_278, %sub3A_288 : vector<256x128xf32>
    %mul3A_290 = vector.broadcast %rsqrt3A : vector<1x128xf32> to vector<256x128xf32>
    %mul3A_291 = arith.mulf %sub3A_289, %mul3A_290 : vector<256x128xf32>
    %get3A_292 = arith.constant 0 : index
    %get3A_293 = arith.constant 0 : index
    %get3A_294 = vector.load %arg12[%get3A_292, %get3A_293] : memref<1x128xf32, #tpu.memory_space<vmem>>, vector<1x128xf32>
    %mul3A_295 = vector.broadcast %get3A_294 : vector<1x128xf32> to vector<256x128xf32>
    %mul3A_296 = arith.mulf %mul3A_291, %mul3A_295 : vector<256x128xf32>
    %get3A_297 = arith.constant 0 : index
    %get3A_298 = arith.constant 0 : index
    %get3A_299 = vector.load %arg13[%get3A_297, %get3A_298] : memref<1x128xf32, #tpu.memory_space<vmem>>, vector<1x128xf32>
    %add3A_300 = vector.broadcast %get3A_299 : vector<1x128xf32> to vector<256x128xf32>
    %add3A_301 = arith.addf %mul3A_296, %add3A_300 : vector<256x128xf32>
    %max3A = arith.constant 0.000000e+00 : f32
    %max3A_302 = vector.broadcast %max3A : f32 to vector<256x128xf32>
    %max3A_303 = arith.maximumf %add3A_301, %max3A_302 : vector<256x128xf32>
    %abs3A = math.absf %add3A_301 : vector<256x128xf32>
    %neg3A = arith.constant 0.000000e+00 : f32
    %neg3A_304 = vector.broadcast %neg3A : f32 to vector<256x128xf32>
    %neg3A_305 = arith.subf %neg3A_304, %abs3A : vector<256x128xf32>
    %exp3A_306 = math.exp %neg3A_305 : vector<256x128xf32>
    %log1p3A = math.log1p %exp3A_306 : vector<256x128xf32>
    %add3A_307 = arith.addf %max3A_303, %log1p3A : vector<256x128xf32>
    %tanh3A = math.tanh %add3A_307 : vector<256x128xf32>
    %mul3A_308 = arith.mulf %add3A_301, %tanh3A : vector<256x128xf32>
    %swap3A = arith.constant 0 : index
    %swap3A_309 = arith.constant 0 : index
    %swap3A_310 = vector.load %arg18[%swap3A, %swap3A_309] : memref<256x128xf32, #tpu.memory_space<vmem>>, vector<256x128xf32>
    tpu.vector_store %arg18[%swap3A, %swap3A_309], %mul3A_308 {strides = array<i32>} : memref<256x128xf32, #tpu.memory_space<vmem>>, vector<256x128xf32>,
    %get3A_311 = arith.constant 0 : index
    %get3A_312 = arith.constant 0 : index
    %get3A_313 = vector.load %arg16[%get3A_311, %get3A_312] : memref<1x128xf32, #tpu.memory_space<vmem>>, vector<1x128xf32>
    %dot_general3A_314 = arith.constant dense<0.000000e+00> : vector<1x256xf32>
    %dot_general3A_315 = tpu.matmul %get3A_313, %mul3A_308, %dot_general3A_314 {dimension_numbers = #tpu.dot_dimension_numbers<[1], [1], [0], [0], [0, 0, 1, 0], [], []>, transpose_lhs_hint = false} : vector<1x128xf32>, vector<256x128xf32>, vector<1x256xf32> -> vector<1x256xf32>
    %get3A_316 = arith.constant 0 : index
    %get3A_317 = arith.constant 0 : index
    %get3A_318 = vector.load %arg17[%get3A_316, %get3A_317] : memref<1x1xf32, #tpu.memory_space<vmem>>, vector<1x1xf32>
    %add3A_319 = vector.broadcast %get3A_318 : vector<1x1xf32> to vector<1x256xf32>
    %add3A_320 = arith.addf %dot_general3A_315, %add3A_319 : vector<1x256xf32>
    %mul3A_321 = arith.constant 256 : i32
    %mul3A_322 = arith.muli %arg0, %mul3A_321 : i32
    %swap3A_323 = arith.constant 0 : index
    %swap3A_324 = arith.index_cast %mul3A_322 : i32 to index
    %swap3A_325 = vector.load %arg19[%swap3A_323, %swap3A_324] : memref<1x2048xf32, #tpu.memory_space<vmem>>, vector<1x256xf32>
    tpu.vector_store %arg19[%swap3A_323, %swap3A_324], %add3A_320 {strides = array<i32>} : memref<1x2048xf32, #tpu.memory_space<vmem>>, vector<1x256xf32>,
    return
  }
  func.func @transform_0(%arg0: i32) -> (i32, i32) {
    %c0_i32 = arith.constant 0 : i32
    %c0_i32_0 = arith.constant 0 : i32
    return %arg0, %c0_i32 : i32, i32
  }
  func.func @transform_1(%arg0: i32) -> (i32, i32, i32) {
    %c0_i32 = arith.constant 0 : i32
    %c0_i32_0 = arith.constant 0 : i32
    %c0_i32_1 = arith.constant 0 : i32
    return %c0_i32, %arg0, %c0_i32_0 : i32, i32, i32
  }
  func.func @transform_2(%arg0: i32) -> (i32, i32) {
    %c0_i32 = arith.constant 0 : i32
    %c0_i32_0 = arith.constant 0 : i32
    %c0_i32_1 = arith.constant 0 : i32
    return %c0_i32, %c0_i32_0 : i32, i32
  }
  func.func @transform_3(%arg0: i32) -> (i32, i32) {
    %c0_i32 = arith.constant 0 : i32
    %c0_i32_0 = arith.constant 0 : i32
    %c0_i32_1 = arith.constant 0 : i32
    return %c0_i32, %c0_i32_0 : i32, i32
  }
  func.func @transform_4(%arg0: i32) -> (i32, i32) {
    %c0_i32 = arith.constant 0 : i32
    %c0_i32_0 = arith.constant 0 : i32
    %c0_i32_1 = arith.constant 0 : i32
    return %c0_i32, %c0_i32_0 : i32, i32
  }
  func.func @transform_5(%arg0: i32) -> (i32, i32) {
    %c0_i32 = arith.constant 0 : i32
    %c0_i32_0 = arith.constant 0 : i32
    %c0_i32_1 = arith.constant 0 : i32
    return %c0_i32, %c0_i32_0 : i32, i32
  }
  func.func @transform_6(%arg0: i32) -> (i32, i32) {
    %c0_i32 = arith.constant 0 : i32
    %c0_i32_0 = arith.constant 0 : i32
    %c0_i32_1 = arith.constant 0 : i32
    return %c0_i32, %c0_i32_0 : i32, i32
  }
  func.func @transform_7(%arg0: i32) -> (i32, i32) {
    %c0_i32 = arith.constant 0 : i32
    %c0_i32_0 = arith.constant 0 : i32
    %c0_i32_1 = arith.constant 0 : i32
    return %c0_i32, %c0_i32_0 : i32, i32
  }
  func.func @transform_8(%arg0: i32) -> (i32, i32) {
    %c0_i32 = arith.constant 0 : i32
    %c0_i32_0 = arith.constant 0 : i32
    %c0_i32_1 = arith.constant 0 : i32
    return %c0_i32, %c0_i32_0 : i32, i32
  }
  func.func @transform_9(%arg0: i32) -> (i32, i32) {
    %c0_i32 = arith.constant 0 : i32
    %c0_i32_0 = arith.constant 0 : i32
    %c0_i32_1 = arith.constant 0 : i32
    return %c0_i32, %c0_i32_0 : i32, i32
  }
  func.func @transform_10(%arg0: i32) -> (i32, i32) {
    %c0_i32 = arith.constant 0 : i32
    %c0_i32_0 = arith.constant 0 : i32
    %c0_i32_1 = arith.constant 0 : i32
    return %c0_i32, %c0_i32_0 : i32, i32
  }
  func.func @transform_11(%arg0: i32) -> (i32, i32) {
    %c0_i32 = arith.constant 0 : i32
    %c0_i32_0 = arith.constant 0 : i32
    %c0_i32_1 = arith.constant 0 : i32
    return %c0_i32, %c0_i32_0 : i32, i32
  }
  func.func @transform_12(%arg0: i32) -> (i32, i32) {
    %c0_i32 = arith.constant 0 : i32
    %c0_i32_0 = arith.constant 0 : i32
    %c0_i32_1 = arith.constant 0 : i32
    return %c0_i32, %c0_i32_0 : i32, i32
  }
  func.func @transform_13(%arg0: i32) -> (i32, i32) {
    %c0_i32 = arith.constant 0 : i32
    %c0_i32_0 = arith.constant 0 : i32
    %c0_i32_1 = arith.constant 0 : i32
    return %c0_i32, %c0_i32_0 : i32, i32
  }
  func.func @transform_14(%arg0: i32) -> (i32, i32) {
    %c0_i32 = arith.constant 0 : i32
    %c0_i32_0 = arith.constant 0 : i32
    %c0_i32_1 = arith.constant 0 : i32
    return %c0_i32, %c0_i32_0 : i32, i32
  }
  func.func @transform_15(%arg0: i32) -> (i32, i32) {
    %c0_i32 = arith.constant 0 : i32
    %c0_i32_0 = arith.constant 0 : i32
    %c0_i32_1 = arith.constant 0 : i32
    return %c0_i32, %c0_i32_0 : i32, i32
  }
  func.func @transform_16(%arg0: i32) -> (i32, i32) {
    %c0_i32 = arith.constant 0 : i32
    %c0_i32_0 = arith.constant 0 : i32
    %c0_i32_1 = arith.constant 0 : i32
    return %c0_i32, %c0_i32_0 : i32, i32
  }
  func.func @transform_17(%arg0: i32) -> (i32, i32) {
    %c0_i32 = arith.constant 0 : i32
    %c0_i32_0 = arith.constant 0 : i32
    return %arg0, %c0_i32 : i32, i32
  }
  func.func @transform_18(%arg0: i32) -> (i32, i32) {
    %c0_i32 = arith.constant 0 : i32
    %c0_i32_0 = arith.constant 0 : i32
    %c0_i32_1 = arith.constant 0 : i32
    return %c0_i32, %c0_i32_0 : i32, i32
  }
}

</mosaic_0001>

<sc_bundles>
// kernel: kernel.11.cloned.1.call-start
scs
__scs_entry_jumppad:
0x0: {  	(pc) =	sbr.rel $0x88, $3  }
0x1: {  	(tag) =	ssettag $0x0;
	lr =	simm.s32 $0x1  }
0x2: {  	[smem:$0x3F91] =	sst lr;
	_ =	strace $0xD0000000  }
0x3: {  	_ = 	snop  }
0x4: {  	_ = 	snop  }
0x5: {  	_ = 	snop  }
0x6: {  	_ = 	snop  }
0x7: {  	_ = 	snop  }
__scs_overlays_trampoline_lowered:
0x8: {  	[smem:$0x3FA0] =	sst s0  }
0x9: {  	[smem:$0x3FA1] =	sst s1  }
0xa: {  	[smem:$0x3FA2] =	sst s2  }
0xb: {  	[smem:$0x3FA3] =	sst s3  }
0xc: {  	[smem:$0x3FA4] =	sst s4  }
0xd: {  	[smem:$0x3FA5] =	sst s5  }
0xe: {  	[smem:$0x3FA6] =	sst s6  }
0xf: {  	[smem:$0x3FA7] =	sst s7  }
0x10: {  	[smem:$0x3FA8] =	sst s8  }
0x11: {  	[smem:$0x3FA9] =	sst s9;
	s0 =	simm.s32 @!p0 $0x0  }
0x12: {  	s1 =	sld [smem:$0x3F8F];
	s0 =	simm.s32 @p0 $0x1  }
0x13: {  	[smem:$0x3FAA] =	sst s0;
	s0 =	simm.s32 @!p1 $0x0  }
0x14: {  	s2 =	sld [smem:$0x3F8E];
	s0 =	simm.s32 @p1 $0x1  }
0x15: {  	[smem:$0x3FAB] =	sst s0;
	s0 =	simm.s32 @!p2 $0x0  }
0x16: {  	s3 =	sld [smem:$0x3FDB];
	s0 =	simm.s32 @p2 $0x1  }
0x17: {  	s4 =	simm.s32 $0x1BF5;
	[smem:$0x3FAD] =	sst s0  }
0x18: {  	s0 =	sld [smem:$0x3F90];
	_ =	swait.ge [sflag:s4], $0x0  }
0x19: {  	s7 =	sld [smem:$0x3F91]  }
0x1a: {  	s8 =	sadd.s32 $0xFFFFE003, lr  }
0x1b: {  	s9 =	sadd.s32 $0xFFFFFEF7, lr;
	s5 =	simm.s32 $0xFFFFFFFF;
	p2 =	slt.u32 s8, $0xFFFFF086  }
0x1c: {  	p1 =	slt.u32 s9, $0xF7A;
	s5 =	simm.s32 @!p2 $0x0  }
0x1d: {  	s5 =	simm.s32 @p1 $0x1;
	p0 =	seq.s32 s7, s2  }
0x1e: {  	s7 =	smul.u32 @!p0 $0xF7A, s2;
	p2 =	seq.s32 @!p0 s5, $0x0  }
0x1f: {  	s9 =	smul.u32 $0xF7A, s1;
	s8 =	simm.s32 @!p0 $0x1BF5;
	p2 =	por !p2, p0  }
0x20: {  	[sflag:s8] =	ssyncset.s32 @!p0 $0xFFFFF086;
	s6 =	sadd.s32 @!p0 s3, s7;
	s7 =	simm.s32 @!p0 $0x108  }
0x21: {  	s3 =	sadd.s32 s3, s9;
	s6 =	sadd.s32 @!p0 $0x88, s6;
	s7 =	simm.s32 @p2 $0x1082  }
0x22: {  	[simem:s7], [sflag:s8] =	dma.local @!p0 [hbm:s6], $0xF7A  }
0x23: {  	s9 =	sor.u32 $0xD0000000, s2;
	s6 =	simm.s32 $0x108;
	_ =	swait.ge @!p0 [sflag:s8], $0x0  }
0x24: {  	s3 =	sadd.s32 $0x88, s3;
	s6 =	simm.s32 @!p1 $0x1082;
	[sflag:s4] =	ssyncset.s32 $0xFFFFF086  }
0x25: {  	[simem:s6], [sflag:s4] =	dma.local [hbm:s3], $0xF7A  }
0x26: {  	[smem:$0x3F91] =	sst s1;
	(tag) =	ssettag s2;
	_ =	strace s9  }
0x27: {  	s1 =	sld [smem:$0x3FA1]  }
0x28: {  	s2 =	sld [smem:$0x3FA2]  }
0x29: {  	s4 =	sld [smem:$0x3FA4]  }
0x2a: {  	p0 =	seq.s32 s5, $0x0;
	s5 =	sld [smem:$0x3FA5]  }
0x2b: {  	s6 =	sld [smem:$0x3FA6]  }
0x2c: {  	s7 =	sld [smem:$0x3FA7]  }
0x2d: {  	s3 =	simm.s32 $0x108;
	s8 =	sld [smem:$0x3FA8]  }
0x2e: {  	s3 =	simm.s32 @!p0 $0x1082;
	s9 =	sld [smem:$0x3FA9]  }
0x2f: {  	lr =	sadd.s32 s0, s3;
	s0 =	sld [smem:$0x3FA0]  }
0x30: {  	s3 =	sld [smem:$0x3FA3]  }
0x31: {  	[smem:$0x3FAC] =	sst s10  }
0x32: {  	s10 =	sld [smem:$0x3FAA];
	_ =	sdelay $0x3  }
0x33: {  	p0 =	seq.s32 s10, $0x1;
	s10 =	sld [smem:$0x3FAC];
	_ =	sdelay $0x3  }
0x34: {  	[smem:$0x3FAC] =	sst s10  }
0x35: {  	s10 =	sld [smem:$0x3FAB];
	_ =	sdelay $0x3  }
0x36: {  	p1 =	seq.s32 s10, $0x1;
	s10 =	sld [smem:$0x3FAC];
	_ =	sdelay $0x3  }
0x37: {  	[smem:$0x3FAC] =	sst s10  }
0x38: {  	s10 =	sld [smem:$0x3FAD]  }
0x39: {  	_ = 	snop;
	(pc) =	sbr.ind lr, $3  }
0x3a: {  	_ = 	snop  }
0x3b: {  	_ = 	snop  }
0x3c: {  	p2 =	seq.s32 s10, $0x1;
	s10 =	sld [smem:$0x3FAC]  }
0x3d: {  	_ =	shalt  }
0x3e: {  	_ =	shalt  }
0x3f: {  	_ =	shalt  }
0x40: {  	_ =	shalt  }
0x41: {  	_ =	shalt  }
0x42: {  	_ =	shalt  }
0x43: {  	_ =	shalt  }
0x44: {  	_ =	shalt  }
0x45: {  	_ =	shalt  }
0x46: {  	_ =	shalt  }
0x47: {  	_ =	shalt  }
0x48: {  	_ =	shalt  }
0x49: {  	_ =	shalt  }
0x4a: {  	_ =	shalt  }
0x4b: {  	_ =	shalt  }
0x4c: {  	_ =	shalt  }
0x4d: {  	_ =	shalt  }
0x4e: {  	_ =	shalt  }
0x4f: {  	_ =	shalt  }
0x50: {  	_ =	shalt  }
0x51: {  	_ =	shalt  }
0x52: {  	_ =	shalt  }
0x53: {  	_ =	shalt  }
0x54: {  	_ =	shalt  }
0x55: {  	_ =	shalt  }
0x56: {  	_ =	shalt  }
0x57: {  	_ =	shalt  }
0x58: {  	_ =	shalt  }
0x59: {  	_ =	shalt  }
0x5a: {  	_ =	shalt  }
0x5b: {  	_ =	shalt  }
0x5c: {  	_ =	shalt  }
0x5d: {  	_ =	shalt  }
0x5e: {  	_ =	shalt  }
0x5f: {  	_ =	shalt  }
0x60: {  	_ =	shalt  }
0x61: {  	_ =	shalt  }
0x62: {  	_ =	shalt  }
0x63: {  	_ =	shalt  }
0x64: {  	_ =	shalt  }
0x65: {  	_ =	shalt  }
0x66: {  	_ =	shalt  }
0x67: {  	_ =	shalt  }
0x68: {  	_ =	shalt  }
0x69: {  	_ =	shalt  }
0x6a: {  	_ =	shalt  }
0x6b: {  	_ =	shalt  }
0x6c: {  	_ =	shalt  }
0x6d: {  	_ =	shalt  }
0x6e: {  	_ =	shalt  }
0x6f: {  	_ =	shalt  }
0x70: {  	_ =	shalt  }
0x71: {  	_ =	shalt  }
0x72: {  	_ =	shalt  }
0x73: {  	_ =	shalt  }
0x74: {  	_ =	shalt  }
0x75: {  	_ =	shalt  }
0x76: {  	_ =	shalt  }
0x77: {  	_ =	shalt  }
0x78: {  	_ =	shalt  }
0x79: {  	_ =	shalt  }
0x7a: {  	_ =	shalt  }
0x7b: {  	_ =	shalt  }
0x7c: {  	_ =	shalt  }
0x7d: {  	_ =	shalt  }
0x7e: {  	_ =	shalt  }
0x7f: {  	_ =	shalt  }
0x80: {  	_ =	shalt  }
0x81: {  	_ =	shalt  }
0x82: {  	_ =	shalt  }
0x83: {  	_ =	shalt  }
0x84: {  	_ =	shalt  }
0x85: {  	_ =	shalt  }
0x86: {  	_ =	shalt  }
0x87: {  	_ =	shalt  }
.Lfunc_end0:
.L_simem_size_0:
called_computation.1_lowered:
.L_overlay_start_0:
0x88: {  	s2 =	sld [smem:$0x3FD9]  }
0x89: {  	s3 =	sld [smem:$0x3FFE];
	_ =	sdelay $0x1  }
0x8a: {  	s1 =	srdreg.scid  }
0x8b: {  	s0 =	sand.u32 $0x1, s1  }
0x8c: {  	s17 =	sshll.u32 s0, $0xA;
	s2 =	sadd.s32 s3, s2  }
0x8d: {  	s2 =	sadd.s32 s2, s17  }
0x8e: {  	[smem:$0x3FB8] =	sst s2  }
0x8f: {  	_ = 	snop  }
0x90: {  	s2 =	sld [smem:$0x3FC9];
	(tm) =	ssettm $0x1  }
0x91: {  	s18 =	sld [smem:$0x3FFB];
	_ =	sdelay $0x3  }
0x92: {  	_ =	strace s18  }
0x93: {  	s3 =	sld [smem:$0x3FFC];
	_ =	sdelay $0x3  }
0x94: {  	_ =	strace s3  }
0x95: {  	s3 =	sld [smem:$0x3FFD];
	_ =	sdelay $0x3  }
0x96: {  	_ =	strace s3  }
0x97: {  	_ =	strace $0x8FFFFFFF  }
0x98: {  	s19 =	sld [smem:$0x3FDB];
	_ =	sdelay $0x1  }
0x99: {  	s4 =	simm.s32 $_scs_section_size  }
0x9a: {  	s5 =	simm.s32 $_size__tile_overlayer_lowered;
	s6 =	simm.s32 $_tile_overlayer_lowered  }
0x9b: {  	s22 =	simm.s32 $0x1BFF;
	s21 =	sshll.u32 s6, $0x1;
	s3 =	sadd.s32 s4, s19  }
0x9c: {  	s7 =	simm.s32 $0x0;
	s20 =	sshll.u32 s5, $0x1;
	s5 =	sadd.s32 s21, s3  }
0x9d: {  	[timem:s7], [sflag:s22] =	dma.local [hbm:s5], s20  }
0x9e: {  	_ =	swait.ge [sflag:s22], s20  }
0x9f: {  	s4 =	ssub.s32 $0x0, s20;
	[sflag:s22] =	ssyncset.done $0x0  }
0xa0: {  	[sflag:s22] =	ssyncadd.s32 s4;
	_ =	sdelay $0x1  }
0xa1: {  	s23 =	simm.s32 $0x1B8B  }
0xa2: {  	_ =	swait.ge [sflag:s23], $0x1  }
0xa3: {  	[sflag:s23] =	ssyncset.done $0x0  }
0xa4: {  	s25 =	simm.s32 $0x1B8E;
	s24 =	sld [smem:$0x3FFE];
	[sflag:s23] =	ssyncadd.s32 $0xFFFFFFFF  }
0xa5: {  	s26 =	simm.s32 $execute0_lowered;
	[smem:$0x3FD2] =	sst s25  }
0xa6: {  	s5 =	sshll.u32 s26, $0x1;
	_ =	strace $0x80000049;
	[dreg:$0x1] =	wrdreg $0xFFFFFFFF  }
0xa7: {  	s28 =	simm.s32 $_size_execute0_lowered;
	s3 =	sadd.s32 s3, s5;
	[dreg:$0x0] =	wrdreg $0x0  }
0xa8: {  	s5 =	sshll.u32 s28, $0x1;
	[dreg:$0x2] =	wrdreg s3  }
0xa9: {  	[dreg:$0x3] =	wrdreg s5  }
0xaa: {  	[dreg:$0x4] =	wrdreg $0xC0  }
0xab: {  	_ =	task [dreg:s7], $0x5FFFF  }
0xac: {  	[dreg:$0x1] =	wrdreg $0xFFFFFFFF  }
0xad: {  	[dreg:$0x0] =	wrdreg $0x60  }
0xae: {  	[dreg:$0x2] =	wrdreg s2  }
0xaf: {  	[dreg:$0x3] =	wrdreg s24  }
0xb0: {  	[dreg:$0x4] =	wrdreg $0x9  }
0xb1: {  	_ =	task.clear_ibuf [dreg:s7], $0x5FFFF;
	_ =	strace $0x90000049  }
0xb2: {  	s29 =	simm.s32 $0x9;
	_ =	strace $0x8000004B  }
0xb3: {  	_ =	swait.ge [sflag:s29], $0x1  }
0xb4: {  	[sflag:s29] =	ssyncadd.s32 $0xFFFFFFFF  }
0xb5: {  	_ =	strace $0x9000004B  }
0xb6: {  	_ =	sfence  }
0xb7: {  	s30 =	sld [smem:$0x0];
	_ =	sdelay $0x2  }
0xb8: {  	s31 =	sshll.u32 s1, $0xD;
	s1 =	sshrl.u32 s1, $0x2  }
0xb9: {  	s3 =	sand.u32 $0x4000, s31;
	s1 =	sadd.s32 s1, s30  }
0xba: {  	s0 =	sor.u32 s3, s0;
	s1 =	sshll.u32 s1, $0x11  }
0xbb: {  	s0 =	sor.u32 s1, s0  }
0xbc: {  	s0 =	sadd.s32 $0x8F2B, s0  }
0xbd: {  	[sflag:s0] =	ssyncadd.remote.s32 $0x1  }
0xbe: {  	_ =	sfence.sel $0xFFFF  }
0xbf: {  	[dreg:$0x0] =	wrdreg $0xFFFFFFFF;
	(pc) =	sbr.abs _section_cstart, $3  }
0xc0: {  	[dreg:$0x1] =	wrdreg $0xFFFFFFFF  }
0xc1: {  	_ =	task.clear_ibuf [dreg:s7], $0x2FFFF;
	_ =	strace $0x9FFFFFFF  }
0xc2: {  	(tm) =	ssettm $0x7FFFFFFF  }
0xc3: {  	_ =	shalt  }
tec
execute0_lowered:
.L_overlay_start_1:
0x0: {  	(tag) =	ssettag $0x1  }
0x1: {  	s1 =	srdreg.scid;
	s2 =	rddreg [dreg:$0x0]  }
0x2: {  	s0 =	stileid.u32;
	s4 =	rddreg [dreg:$0x1];
	s3 =	simm.s32 $0x0  }
0x3: {  	s11 =	simm.s32 $0xB400;
	s12 =	simm.s32 $0x0;
	s5 =	sand.u32 $0x1, s1  }
0x4: {  	s28 =	sshll.u32 s0, $0x1;
	s1 =	rddreg [dreg:$0x2];
	s29 =	smul.u32 $0x28000, s0  }
0x5: {  	[smem:$0x7FF] =	sst s3;
	s6 =	sor.u32 s5, s28;
	s30 =	smul.u32 $0x14000, s5  }
0x6: {  	s10 =	sadd.s32 $0x15600, s4;
	s8 =	ssub.s32 $0x2, s5;
	s7 =	smul.u32 $0x1400, s6  }
0x7: {  	_ =	strace $0x8000004A;
	s9 =	sshrl.u32 s8, $0x1;
	s6 =	smul.u32 $0x14000, s6  }
0x8: {  	s31 =	sadd.s32 s29, s10;
	s8 =	ssub.s32 s8, s9;
	s9 =	simm.s32 $0x1400  }
0x9: {  	s7 =	sshrl.u32 s7, $0x3;
	s6 =	sadd.s32 s10, s6;
	s5 =	smax.u32 s8, $0x1  }
0xa: {  	s8 =	simm.s32 $0x3;
	s10 =	simm.s32 $0x2;
	s7 =	sadd.s32 s7, s4  }
0xb: {  	s6 =	sadd.s32 $0x12C00, s6;
	s4 =	sadd.s32 $0x5200, s7;
	s7 =	sadd.s32 s30, s31  }
.LBB2_1:
0xc: {  	[tilespmem:s3], [sflag:$0x3] =	stream.linear.gather [hbm4b:s4+s3], $0x1400, $0x38;
	[tilespmem:$0x15400] =	vst v63  }
0xd: {  	_ =	swait.ge [sflag:s8], $0x1400  }
0xe: {  	s14 =	sand.u32 $0x1, s3;
	[sflag:s8] =	ssyncset.done $0x0  }
0xf: {  	s13 =	simm.s32 $0x140;
	p0 =	seq.s32 s14, $0x1;
	[sflag:s8] =	ssyncadd.s32 $0xFFFFEC00  }
0x10: {  	[tilespmem:s9], [sflag:$0x1] =	stream.indirect.gather [hbm4b:s2+s13], $0x80, s3, s13, $0xb8;
	[tilespmem:$0x15400] =	vst v63  }
0x11: {  	p1 =	seq.s32 s14, $0x0;
	s15 =	simm.s32 @!p0 $0x140;
	s16 =	simm.s32 @!p0 $0xB400  }
0x12: {  	[tilespmem:s16], [sflag:$0x2] =	stream.indirect.gather @!p0 [hbm4b:s2+s15], $0x80, s13, s15, $0xb8;
	[tilespmem:$0x15400] =	vst v63  }
0x13: {  	p2 =	sne.s32 s14, $0x0;
	s15 =	simm.s32 @!p1 $0x140;
	s16 =	simm.s32 @!p1 $0x1400  }
0x14: {  	[tilespmem:s16], [sflag:$0x1] =	stream.indirect.gather @!p1 [hbm4b:s2+s15], $0x80, s13, s15, $0xb8;
	[tilespmem:$0x15400] =	vst v63  }
0x15: {  	s13 =	simm.s32 @!p2 $0x1  }
0x16: {  	_ =	swait.ge @!p2 [sflag:s13], $0xA000  }
0x17: {  	s14 =	simm.s32 @!p2 $0x0;
	[sflag:s13] =	ssyncset.done @!p2 $0x0  }
0x18: {  	s15 =	simm.s32 @!p2 $0x1400;
	[sflag:s13] =	ssyncadd.s32 @!p2 $0xFFFF6000;
	s13 =	simm.s32 @!p2 $0x4  }
0x19: {  	[hbm4b:s7+s14] =	stream.linear.scatter @!p2 [tilespmem:s15], [sflag:$0x4], $0xA000, $0x38;
	[tilespmem:$0x15400] =	vst v63  }
0x1a: {  	_ =	swait.ge @!p2 [sflag:s13], $0xA000  }
0x1b: {  	p0 =	por p0, p0;
	[sflag:s13] =	ssyncset.done @!p2 $0x0  }
0x1c: {  	s14 =	simm.s32 @p0 $0x2;
	[sflag:s13] =	ssyncadd.s32 @!p2 $0xFFFF6000  }
0x1d: {  	s31 =	simm.s32 $0x1;
	s17 =	simm.s32 @p0 $0x3;
	_ =	swait.ge @p0 [sflag:s14], $0xA000  }
0x1e: {  	s16 =	simm.s32 @p0 $0xB400;
	s15 =	simm.s32 @p0 $0x0;
	[sflag:s14] =	ssyncset.done @p0 $0x0  }
0x1f: {  	s13 =	sadd.s32 $0x1400, s7;
	[sflag:s14] =	ssyncadd.s32 @p0 $0xFFFF6000;
	s14 =	simm.s32 $0x280  }
0x20: {  	[hbm4b:s7+s15] =	stream.linear.scatter @p0 [tilespmem:s16], [sflag:$0x3], $0xA000, $0x38;
	[tilespmem:$0x15400] =	vst v63  }
0x21: {  	s15 =	simm.s32 $0x2;
	s16 =	sand.u32 $0x1, s31;
	_ =	swait.ge @p0 [sflag:s17], $0xA000  }
.LBB2_2:
0x22: {  	p3 =	seq.s32 s16, $0x1;
	p1 =	seq.s32 s16, $0x0;
	[sflag:s17] =	ssyncset.done @p0 $0x0  }
0x23: {  	s18 =	simm.s32 @!p3 $0x140;
	s19 =	simm.s32 @!p3 $0xB400;
	[sflag:s17] =	ssyncadd.s32 @p0 $0xFFFF6000  }
0x24: {  	[tilespmem:s19], [sflag:$0x2] =	stream.indirect.gather @!p3 [hbm4b:s2+s18], $0x80, s14, s18, $0xb8;
	[tilespmem:$0x15400] =	vst v63  }
0x25: {  	p2 =	sne.s32 s16, $0x0;
	s17 =	simm.s32 @!p1 $0x140;
	s18 =	simm.s32 @!p1 $0x1400  }
0x26: {  	[tilespmem:s18], [sflag:$0x1] =	stream.indirect.gather @!p1 [hbm4b:s2+s17], $0x80, s14, s17, $0xb8;
	[tilespmem:$0x15400] =	vst v63  }
0x27: {  	s16 =	simm.s32 @!p2 $0x1;
	s18 =	smov.u32 s15;
	s15 =	sadd.s32 $0x1, s15  }
0x28: {  	p0 =	por p3, p3;
	p1 =	sne.s32 s15, $0xF;
	_ =	swait.ge @!p2 [sflag:s16], $0xA000  }
0x29: {  	s19 =	simm.s32 @!p2 $0x1400;
	s17 =	simm.s32 @!p2 $0x0;
	[sflag:s16] =	ssyncset.done @!p2 $0x0  }
0x2a: {  	[sflag:s16] =	ssyncadd.s32 @!p2 $0xFFFF6000;
	s16 =	simm.s32 @!p2 $0x4  }
0x2b: {  	[hbm4b:s13+s17] =	stream.linear.scatter @!p2 [tilespmem:s19], [sflag:$0x4], $0xA000, $0x38;
	[tilespmem:$0x15400] =	vst v63  }
0x2c: {  	_ =	swait.ge @!p2 [sflag:s16], $0xA000  }
0x2d: {  	s17 =	simm.s32 @p0 $0x2;
	[sflag:s16] =	ssyncset.done @!p2 $0x0  }
0x2e: {  	[sflag:s16] =	ssyncadd.s32 @!p2 $0xFFFF6000  }
.Ltmp0:
0x2f: {  	_ =	swait.ge @p0 [sflag:s17], $0xA000;
	(pc) =	sbr.rel @p1 .LBB2_2-.Ltmp0, $4  }
0x30: {  	s19 =	simm.s32 @p0 $0xB400;
	s16 =	simm.s32 @p0 $0x0;
	[sflag:s17] =	ssyncset.done @p0 $0x0  }
0x31: {  	s14 =	sadd.s32 $0x140, s14;
	[sflag:s17] =	ssyncadd.s32 @p0 $0xFFFF6000;
	s17 =	simm.s32 @p0 $0x3  }
0x32: {  	[hbm4b:s13+s16] =	stream.linear.scatter @p0 [tilespmem:s19], [sflag:$0x3], $0xA000, $0x38;
	[tilespmem:$0x15400] =	vst v63  }
0x33: {  	s16 =	sand.u32 $0x1, s18;
	s13 =	sadd.s32 $0x1400, s13;
	_ =	swait.ge @p0 [sflag:s17], $0xA000  }
0x34: {  	p1 =	seq.s32 s16, $0x1;
	p2 =	seq.s32 s16, $0x0;
	[sflag:s17] =	ssyncset.done @p0 $0x0  }
0x35: {  	s15 =	simm.s32 @!p1 $0x140;
	s18 =	simm.s32 @!p1 $0xB400;
	[sflag:s17] =	ssyncadd.s32 @p0 $0xFFFF6000  }
0x36: {  	[tilespmem:s18], [sflag:$0x2] =	stream.indirect.gather @!p1 [hbm4b:s2+s15], $0x80, s14, s15, $0xb8;
	[tilespmem:$0x15400] =	vst v63  }
0x37: {  	s17 =	simm.s32 @!p2 $0x1400;
	p0 =	sne.s32 s16, $0x0;
	s15 =	simm.s32 @!p2 $0x140  }
0x38: {  	[tilespmem:s17], [sflag:$0x1] =	stream.indirect.gather @!p2 [hbm4b:s2+s15], $0x80, s14, s15, $0xb8;
	[tilespmem:$0x15400] =	vst v63  }
0x39: {  	s14 =	simm.s32 @!p0 $0x1  }
0x3a: {  	_ =	swait.ge @!p0 [sflag:s14], $0xA000  }
0x3b: {  	s16 =	simm.s32 @!p0 $0x1400;
	[sflag:s14] =	ssyncset.done @!p0 $0x0  }
0x3c: {  	s15 =	simm.s32 @!p0 $0x0;
	[sflag:s14] =	ssyncadd.s32 @!p0 $0xFFFF6000;
	s14 =	simm.s32 @!p0 $0x4  }
0x3d: {  	[hbm4b:s13+s15] =	stream.linear.scatter @!p0 [tilespmem:s16], [sflag:$0x4], $0xA000, $0x38;
	[tilespmem:$0x15400] =	vst v63  }
0x3e: {  	_ =	swait.ge @!p0 [sflag:s14], $0xA000  }
0x3f: {  	p1 =	por p1, p1;
	[sflag:s14] =	ssyncset.done @!p0 $0x0  }
0x40: {  	s15 =	simm.s32 @p1 $0x2;
	[sflag:s14] =	ssyncadd.s32 @!p0 $0xFFFF6000  }
0x41: {  	_ =	swait.ge @p1 [sflag:s15], $0xA000  }
0x42: {  	s16 =	simm.s32 @p1 $0xB400;
	[sflag:s15] =	ssyncset.done @p1 $0x0  }
0x43: {  	s14 =	simm.s32 @p1 $0x0;
	[sflag:s15] =	ssyncadd.s32 @p1 $0xFFFF6000;
	s15 =	simm.s32 @p1 $0x3  }
0x44: {  	[hbm4b:s13+s14] =	stream.linear.scatter @p1 [tilespmem:s16], [sflag:$0x3], $0xA000, $0x38;
	[tilespmem:$0x15400] =	vst v63  }
0x45: {  	_ =	swait.ge @p1 [sflag:s15], $0xA000  }
0x46: {  	[sflag:s15] =	ssyncset.done @p1 $0x0  }
0x47: {  	[sflag:s15] =	ssyncadd.s32 @p1 $0xFFFF6000  }
0x48: {  	s12 =	sadd.s32 $0x1, s12;
	_ =	swait.ge [sflag:s10], $0xA000  }
0x49: {  	p0 =	sne.s32 s12, s5;
	[sflag:s10] =	ssyncset.done $0x0  }
.Ltmp1:
0x4a: {  	[sflag:s10] =	ssyncadd.s32 $0xFFFF6000;
	(pc) =	sbr.rel @p0 .LBB2_1-.Ltmp1, $4  }
0x4b: {  	[hbm4b:s6+s3] =	stream.linear.scatter [tilespmem:s11], [sflag:$0x3], $0xA000, $0x38;
	[tilespmem:$0x15400] =	vst v63  }
0x4c: {  	_ =	swait.ge [sflag:s8], $0xA000  }
0x4d: {  	[sflag:s8] =	ssyncset.done $0x0  }
0x4e: {  	[sflag:s8] =	ssyncadd.s32 $0xFFFF6000  }
0x4f: {  	_ =	sfence.sel $0x180000  }
0x50: {  	[bflag:$0x0] =	sbarrier.arrive $0xFFFF  }
0x51: {  	p0 =	sne.s32 s0, $0x0;
	_ =	strace $0x9000004A  }
0x52: {  	s0 =	sadd.s32 @!p0 $0x100000, s1;
	[bflag:$0x2] =	sbarrier.arrive $0xFFFF  }
0x53: {  	[sflag:s0] =	ssyncadd.tile.s32 @!p0 $0x1;
	_ =	shalt  }
.Lfunc_end2:
_tile_overlayer_lowered:
.L_overlay_start_2:
0x54: {  	(tag) =	ssettag $0x2  }
0x55: {  	s0 =	rddreg [dreg:$0x0];
	s2 =	stileid.u32  }
0x56: {  	s1 =	rddreg [dreg:$0x1];
	p0 =	sne.s32 s2, $0x0  }
0x57: {  	s3 =	rddreg [dreg:$0x2];
	[bflag:$0x3] =	sbarrier.arrive $0xFFFF;
	s2 =	simm.s32 @!p0 $0x1C03  }
0x58: {  	[timem:s3], [sflag:s2] =	dma.local @!p0 [hbm:s0], s1  }
0x59: {  	s0 =	simm.s32 @!p0 $0x3  }
0x5a: {  	_ =	swait.ge @!p0 [sflag:s0], s1  }
0x5b: {  	s1 =	ssub.s32 @!p0 $0x0, s1;
	[sflag:s0] =	ssyncset.done @!p0 $0x0  }
0x5c: {  	[sflag:s0] =	ssyncadd.s32 @!p0 s1  }
0x5d: {  	[bflag:$0x3] =	sbarrier.arrive $0xFFFF  }
0x5e: {  	_ =	shalt  }

// kernel: kernel.14.cloned.1.call-start
scs
__scs_entry_jumppad:
0x0: {  	(pc) =	sbr.rel $0x88, $3  }
0x1: {  	(tag) =	ssettag $0x0;
	lr =	simm.s32 $0x1  }
0x2: {  	[smem:$0x3F91] =	sst lr;
	_ =	strace $0xD0000000  }
0x3: {  	_ = 	snop  }
0x4: {  	_ = 	snop  }
0x5: {  	_ = 	snop  }
0x6: {  	_ = 	snop  }
0x7: {  	_ = 	snop  }
__scs_overlays_trampoline_lowered:
0x8: {  	[smem:$0x3FA0] =	sst s0  }
0x9: {  	[smem:$0x3FA1] =	sst s1  }
0xa: {  	[smem:$0x3FA2] =	sst s2  }
0xb: {  	[smem:$0x3FA3] =	sst s3  }
0xc: {  	[smem:$0x3FA4] =	sst s4  }
0xd: {  	[smem:$0x3FA5] =	sst s5  }
0xe: {  	[smem:$0x3FA6] =	sst s6  }
0xf: {  	[smem:$0x3FA7] =	sst s7  }
0x10: {  	[smem:$0x3FA8] =	sst s8  }
0x11: {  	[smem:$0x3FA9] =	sst s9;
	s0 =	simm.s32 @!p0 $0x0  }
0x12: {  	s1 =	sld [smem:$0x3F8F];
	s0 =	simm.s32 @p0 $0x1  }
0x13: {  	[smem:$0x3FAA] =	sst s0;
	s0 =	simm.s32 @!p1 $0x0  }
0x14: {  	s2 =	sld [smem:$0x3F8E];
	s0 =	simm.s32 @p1 $0x1  }
0x15: {  	[smem:$0x3FAB] =	sst s0;
	s0 =	simm.s32 @!p2 $0x0  }
0x16: {  	s3 =	sld [smem:$0x3FDB];
	s0 =	simm.s32 @p2 $0x1  }
0x17: {  	s4 =	simm.s32 $0x1BF5;
	[smem:$0x3FAD] =	sst s0  }
0x18: {  	s0 =	sld [smem:$0x3F90];
	_ =	swait.ge [sflag:s4], $0x0  }
0x19: {  	s7 =	sld [smem:$0x3F91]  }
0x1a: {  	s8 =	sadd.s32 $0xFFFFE003, lr  }
0x1b: {  	s9 =	sadd.s32 $0xFFFFFEF7, lr;
	s5 =	simm.s32 $0xFFFFFFFF;
	p2 =	slt.u32 s8, $0xFFFFF086  }
0x1c: {  	p1 =	slt.u32 s9, $0xF7A;
	s5 =	simm.s32 @!p2 $0x0  }
0x1d: {  	s5 =	simm.s32 @p1 $0x1;
	p0 =	seq.s32 s7, s2  }
0x1e: {  	s7 =	smul.u32 @!p0 $0xF7A, s2;
	p2 =	seq.s32 @!p0 s5, $0x0  }
0x1f: {  	s9 =	smul.u32 $0xF7A, s1;
	s8 =	simm.s32 @!p0 $0x1BF5;
	p2 =	por !p2, p0  }
0x20: {  	[sflag:s8] =	ssyncset.s32 @!p0 $0xFFFFF086;
	s6 =	sadd.s32 @!p0 s3, s7;
	s7 =	simm.s32 @!p0 $0x108  }
0x21: {  	s3 =	sadd.s32 s3, s9;
	s6 =	sadd.s32 @!p0 $0x88, s6;
	s7 =	simm.s32 @p2 $0x1082  }
0x22: {  	[simem:s7], [sflag:s8] =	dma.local @!p0 [hbm:s6], $0xF7A  }
0x23: {  	s9 =	sor.u32 $0xD0000000, s2;
	s6 =	simm.s32 $0x108;
	_ =	swait.ge @!p0 [sflag:s8], $0x0  }
0x24: {  	s3 =	sadd.s32 $0x88, s3;
	s6 =	simm.s32 @!p1 $0x1082;
	[sflag:s4] =	ssyncset.s32 $0xFFFFF086  }
0x25: {  	[simem:s6], [sflag:s4] =	dma.local [hbm:s3], $0xF7A  }
0x26: {  	[smem:$0x3F91] =	sst s1;
	(tag) =	ssettag s2;
	_ =	strace s9  }
0x27: {  	s1 =	sld [smem:$0x3FA1]  }
0x28: {  	s2 =	sld [smem:$0x3FA2]  }
0x29: {  	s4 =	sld [smem:$0x3FA4]  }
0x2a: {  	p0 =	seq.s32 s5, $0x0;
	s5 =	sld [smem:$0x3FA5]  }
0x2b: {  	s6 =	sld [smem:$0x3FA6]  }
0x2c: {  	s7 =	sld [smem:$0x3FA7]  }
0x2d: {  	s3 =	simm.s32 $0x108;
	s8 =	sld [smem:$0x3FA8]  }
0x2e: {  	s3 =	simm.s32 @!p0 $0x1082;
	s9 =	sld [smem:$0x3FA9]  }
0x2f: {  	lr =	sadd.s32 s0, s3;
	s0 =	sld [smem:$0x3FA0]  }
0x30: {  	s3 =	sld [smem:$0x3FA3]  }
0x31: {  	[smem:$0x3FAC] =	sst s10  }
0x32: {  	s10 =	sld [smem:$0x3FAA];
	_ =	sdelay $0x3  }
0x33: {  	p0 =	seq.s32 s10, $0x1;
	s10 =	sld [smem:$0x3FAC];
	_ =	sdelay $0x3  }
0x34: {  	[smem:$0x3FAC] =	sst s10  }
0x35: {  	s10 =	sld [smem:$0x3FAB];
	_ =	sdelay $0x3  }
0x36: {  	p1 =	seq.s32 s10, $0x1;
	s10 =	sld [smem:$0x3FAC];
	_ =	sdelay $0x3  }
0x37: {  	[smem:$0x3FAC] =	sst s10  }
0x38: {  	s10 =	sld [smem:$0x3FAD]  }
0x39: {  	_ = 	snop;
	(pc) =	sbr.ind lr, $3  }
0x3a: {  	_ = 	snop  }
0x3b: {  	_ = 	snop  }
0x3c: {  	p2 =	seq.s32 s10, $0x1;
	s10 =	sld [smem:$0x3FAC]  }
0x3d: {  	_ =	shalt  }
0x3e: {  	_ =	shalt  }
0x3f: {  	_ =	shalt  }
0x40: {  	_ =	shalt  }
0x41: {  	_ =	shalt  }
0x42: {  	_ =	shalt  }
0x43: {  	_ =	shalt  }
0x44: {  	_ =	shalt  }
0x45: {  	_ =	shalt  }
0x46: {  	_ =	shalt  }
0x47: {  	_ =	shalt  }
0x48: {  	_ =	shalt  }
0x49: {  	_ =	shalt  }
0x4a: {  	_ =	shalt  }
0x4b: {  	_ =	shalt  }
0x4c: {  	_ =	shalt  }
0x4d: {  	_ =	shalt  }
0x4e: {  	_ =	shalt  }
0x4f: {  	_ =	shalt  }
0x50: {  	_ =	shalt  }
0x51: {  	_ =	shalt  }
0x52: {  	_ =	shalt  }
0x53: {  	_ =	shalt  }
0x54: {  	_ =	shalt  }
0x55: {  	_ =	shalt  }
0x56: {  	_ =	shalt  }
0x57: {  	_ =	shalt  }
0x58: {  	_ =	shalt  }
0x59: {  	_ =	shalt  }
0x5a: {  	_ =	shalt  }
0x5b: {  	_ =	shalt  }
0x5c: {  	_ =	shalt  }
0x5d: {  	_ =	shalt  }
0x5e: {  	_ =	shalt  }
0x5f: {  	_ =	shalt  }
0x60: {  	_ =	shalt  }
0x61: {  	_ =	shalt  }
0x62: {  	_ =	shalt  }
0x63: {  	_ =	shalt  }
0x64: {  	_ =	shalt  }
0x65: {  	_ =	shalt  }
0x66: {  	_ =	shalt  }
0x67: {  	_ =	shalt  }
0x68: {  	_ =	shalt  }
0x69: {  	_ =	shalt  }
0x6a: {  	_ =	shalt  }
0x6b: {  	_ =	shalt  }
0x6c: {  	_ =	shalt  }
0x6d: {  	_ =	shalt  }
0x6e: {  	_ =	shalt  }
0x6f: {  	_ =	shalt  }
0x70: {  	_ =	shalt  }
0x71: {  	_ =	shalt  }
0x72: {  	_ =	shalt  }
0x73: {  	_ =	shalt  }
0x74: {  	_ =	shalt  }
0x75: {  	_ =	shalt  }
0x76: {  	_ =	shalt  }
0x77: {  	_ =	shalt  }
0x78: {  	_ =	shalt  }
0x79: {  	_ =	shalt  }
0x7a: {  	_ =	shalt  }
0x7b: {  	_ =	shalt  }
0x7c: {  	_ =	shalt  }
0x7d: {  	_ =	shalt  }
0x7e: {  	_ =	shalt  }
0x7f: {  	_ =	shalt  }
0x80: {  	_ =	shalt  }
0x81: {  	_ =	shalt  }
0x82: {  	_ =	shalt  }
0x83: {  	_ =	shalt  }
0x84: {  	_ =	shalt  }
0x85: {  	_ =	shalt  }
0x86: {  	_ =	shalt  }
0x87: {  	_ =	shalt  }
.Lfunc_end0:
.L_simem_size_0:
called_computation.2_lowered:
.L_overlay_start_0:
0x88: {  	s2 =	sld [smem:$0x3FD9]  }
0x89: {  	s3 =	sld [smem:$0x3FFE];
	_ =	sdelay $0x1  }
0x8a: {  	s1 =	srdreg.scid  }
0x8b: {  	s0 =	sand.u32 $0x1, s1  }
0x8c: {  	s16 =	sshll.u32 s0, $0xA;
	s2 =	sadd.s32 s3, s2  }
0x8d: {  	s2 =	sadd.s32 s2, s16  }
0x8e: {  	[smem:$0x3FB8] =	sst s2  }
0x8f: {  	_ = 	snop  }
0x90: {  	(tm) =	ssettm $0x1  }
0x91: {  	s17 =	sld [smem:$0x3FFB];
	_ =	sdelay $0x3  }
0x92: {  	_ =	strace s17  }
0x93: {  	s2 =	sld [smem:$0x3FFC];
	_ =	sdelay $0x3  }
0x94: {  	_ =	strace s2  }
0x95: {  	s2 =	sld [smem:$0x3FFD];
	_ =	sdelay $0x3  }
0x96: {  	_ =	strace s2  }
0x97: {  	_ =	strace $0x8FFFFFFF  }
0x98: {  	s18 =	sld [smem:$0x3FDB];
	_ =	sdelay $0x1  }
0x99: {  	s19 =	simm.s32 $_scs_section_size  }
0x9a: {  	s4 =	simm.s32 $_size__tile_overlayer_lowered;
	s5 =	simm.s32 $_tile_overlayer_lowered  }
0x9b: {  	s22 =	simm.s32 $0x1BFF;
	s21 =	sshll.u32 s5, $0x1;
	s2 =	sadd.s32 s19, s18  }
0x9c: {  	s6 =	simm.s32 $0x0;
	s20 =	sshll.u32 s4, $0x1;
	s4 =	sadd.s32 s21, s2  }
0x9d: {  	[timem:s6], [sflag:s22] =	dma.local [hbm:s4], s20  }
0x9e: {  	_ =	swait.ge [sflag:s22], s20  }
0x9f: {  	s3 =	ssub.s32 $0x0, s20;
	[sflag:s22] =	ssyncset.done $0x0  }
0xa0: {  	[sflag:s22] =	ssyncadd.s32 s3;
	_ =	sdelay $0x1  }
0xa1: {  	s23 =	simm.s32 $0x1B8B  }
0xa2: {  	_ =	swait.ge [sflag:s23], $0x1  }
0xa3: {  	[sflag:s23] =	ssyncset.done $0x0  }
0xa4: {  	s25 =	simm.s32 $0x1B8E;
	s24 =	sld [smem:$0x3FFE];
	[sflag:s23] =	ssyncadd.s32 $0xFFFFFFFF  }
0xa5: {  	s26 =	simm.s32 $execute0_lowered;
	[smem:$0x3FD2] =	sst s25  }
0xa6: {  	s4 =	sshll.u32 s26, $0x1;
	_ =	strace $0x8000004C;
	[dreg:$0x1] =	wrdreg $0xFFFFFFFF  }
0xa7: {  	s28 =	simm.s32 $_size_execute0_lowered;
	s2 =	sadd.s32 s2, s4;
	[dreg:$0x0] =	wrdreg $0x0  }
0xa8: {  	s4 =	sshll.u32 s28, $0x1;
	[dreg:$0x2] =	wrdreg s2  }
0xa9: {  	[dreg:$0x3] =	wrdreg s4  }
0xaa: {  	[dreg:$0x4] =	wrdreg $0xC0  }
0xab: {  	_ =	task [dreg:s6], $0x5FFFF  }
0xac: {  	[dreg:$0x1] =	wrdreg $0xFFFFFFFF  }
0xad: {  	[dreg:$0x0] =	wrdreg $0x60  }
0xae: {  	[dreg:$0x2] =	wrdreg s24  }
0xaf: {  	[dreg:$0x3] =	wrdreg $0x9  }
0xb0: {  	_ =	task.clear_ibuf [dreg:s6], $0x4FFFF;
	_ =	strace $0x9000004C  }
0xb1: {  	s29 =	simm.s32 $0x9;
	_ =	strace $0x8000004E  }
0xb2: {  	_ =	swait.ge [sflag:s29], $0x1  }
0xb3: {  	[sflag:s29] =	ssyncadd.s32 $0xFFFFFFFF  }
0xb4: {  	_ =	strace $0x9000004E  }
0xb5: {  	_ =	sfence  }
0xb6: {  	s30 =	sld [smem:$0x0];
	_ =	sdelay $0x2  }
0xb7: {  	s31 =	sshll.u32 s1, $0xD;
	s1 =	sshrl.u32 s1, $0x2  }
0xb8: {  	s3 =	sand.u32 $0x4000, s31;
	s1 =	sadd.s32 s1, s30  }
0xb9: {  	s0 =	sor.u32 s3, s0;
	s1 =	sshll.u32 s1, $0x11  }
0xba: {  	s0 =	sor.u32 s1, s0  }
0xbb: {  	s0 =	sadd.s32 $0x8F2B, s0  }
0xbc: {  	[sflag:s0] =	ssyncadd.remote.s32 $0x1  }
0xbd: {  	_ =	sfence.sel $0xFFFF  }
0xbe: {  	[dreg:$0x0] =	wrdreg $0xFFFFFFFF;
	(pc) =	sbr.abs _section_cstart, $3  }
0xbf: {  	[dreg:$0x1] =	wrdreg $0xFFFFFFFF  }
0xc0: {  	_ =	task.clear_ibuf [dreg:s6], $0x2FFFF;
	_ =	strace $0x9FFFFFFF  }
0xc1: {  	(tm) =	ssettm $0x7FFFFFFF  }
tec
execute0_lowered:
.L_overlay_start_1:
0x0: {  	(tag) =	ssettag $0x1  }
0x1: {  	s1 =	srdreg.scid  }
0x2: {  	s0 =	stileid.u32;
	s17 =	sand.u32 $0x1, s1  }
0x3: {  	s31 =	sshll.u32 s0, $0xB;
	s2 =	sshll.u32 s17, $0xA  }
0x4: {  	s10 =	rddreg [dreg:$0x0];
	s11 =	sor.u32 s2, s31  }
0x5: {  	s1 =	rddreg [dreg:$0x1];
	s2 =	simm.s32 $0x0;
	s3 =	sshrl.u32 s11, $0x3  }
0x6: {  	[smem:$0x7FF] =	sst s2;
	s3 =	sadd.s32 s3, s10  }
0x7: {  	_ =	strace $0x8000004D;
	s4 =	sadd.s32 $0xA200, s3;
	s3 =	simm.s32 $0x3  }
0x8: {  	[tilespmem:s2], [sflag:$0x3] =	stream.linear.gather [hbm4b:s4+s2], $0x400, $0x38;
	[tilespmem:$0x10400] =	vst v63  }
0x9: {  	_ =	swait.ge [sflag:s3], $0x400  }
0xa: {  	s6 =	simm.s32 $0x100;
	[sflag:s3] =	ssyncset.done $0x0  }
0xb: {  	s7 =	simm.s32 $0x400;
	s5 =	sadd.s32 $0x15600, s10;
	[sflag:s3] =	ssyncadd.s32 $0xFFFFFC00  }
0xc: {  	[tilespmem:s7], [sflag:$0x1] =	stream.indirect.gather [hbm4b:s5+s6], $0x80, s2, s6, $0xb8;
	[tilespmem:$0x10400] =	vst v63  }
0xd: {  	s8 =	simm.s32 $0x8400;
	s9 =	simm.s32 $0x1  }
0xe: {  	[tilespmem:s8], [sflag:$0x2] =	stream.indirect.gather [hbm4b:s5+s6], $0x80, s6, s6, $0xb8;
	[tilespmem:$0x10400] =	vst v63  }
0xf: {  	s11 =	sshll.u32 s11, $0x4;
	_ =	swait.ge [sflag:s9], $0x8000  }
0x10: {  	s18 =	sadd.s32 s11, s10;
	[sflag:s9] =	ssyncset.done $0x0  }
0x11: {  	s11 =	simm.s32 $0x4;
	s10 =	sadd.s32 $0x63800, s18;
	[sflag:s9] =	ssyncadd.s32 $0xFFFF8000  }
0x12: {  	[hbm4b:s10+s2] =	stream.linear.scatter [tilespmem:s7], [sflag:$0x4], $0x8000, $0x38;
	[tilespmem:$0x10400] =	vst v63  }
0x13: {  	_ =	swait.ge [sflag:s11], $0x8000  }
0x14: {  	[sflag:s11] =	ssyncset.done $0x0  }
0x15: {  	s12 =	simm.s32 $0x200;
	s13 =	simm.s32 $0x2;
	[sflag:s11] =	ssyncadd.s32 $0xFFFF8000  }
0x16: {  	[tilespmem:s7], [sflag:$0x1] =	stream.indirect.gather [hbm4b:s5+s6], $0x80, s12, s6, $0xb8;
	[tilespmem:$0x10400] =	vst v63  }
0x17: {  	_ =	swait.ge [sflag:s13], $0x8000  }
0x18: {  	[sflag:s13] =	ssyncset.done $0x0  }
0x19: {  	s14 =	sadd.s32 $0x64800, s18;
	[sflag:s13] =	ssyncadd.s32 $0xFFFF8000  }
0x1a: {  	[hbm4b:s14+s2] =	stream.linear.scatter [tilespmem:s8], [sflag:$0x3], $0x8000, $0x38;
	[tilespmem:$0x10400] =	vst v63  }
0x1b: {  	_ =	swait.ge [sflag:s3], $0x8000  }
0x1c: {  	[sflag:s3] =	ssyncset.done $0x0  }
0x1d: {  	s15 =	simm.s32 $0x300;
	[sflag:s3] =	ssyncadd.s32 $0xFFFF8000  }
0x1e: {  	[tilespmem:s8], [sflag:$0x2] =	stream.indirect.gather [hbm4b:s5+s6], $0x80, s15, s6, $0xb8;
	[tilespmem:$0x10400] =	vst v63  }
0x1f: {  	_ =	swait.ge [sflag:s9], $0x8000  }
0x20: {  	[sflag:s9] =	ssyncset.done $0x0  }
0x21: {  	s17 =	ssub.s32 $0x2, s17;
	s16 =	sadd.s32 $0x65800, s18;
	[sflag:s9] =	ssyncadd.s32 $0xFFFF8000  }
0x22: {  	[hbm4b:s16+s2] =	stream.linear.scatter [tilespmem:s7], [sflag:$0x4], $0x8000, $0x38;
	[tilespmem:$0x10400] =	vst v63  }
0x23: {  	s19 =	sshrl.u32 s17, $0x1;
	_ =	swait.ge [sflag:s11], $0x8000  }
0x24: {  	s17 =	ssub.s32 s17, s19;
	[sflag:s11] =	ssyncset.done $0x0  }
0x25: {  	s19 =	smax.u32 s17, $0x1;
	[sflag:s11] =	ssyncadd.s32 $0xFFFF8000  }
0x26: {  	p0 =	sne.s32 s19, $0x1;
	_ =	swait.ge [sflag:s13], $0x8000  }
.Ltmp0:
0x27: {  	[sflag:s13] =	ssyncset.done $0x0;
	(pc) =	sbr.rel @!p0 .LBB2_2-.Ltmp0, $4  }
0x28: {  	s17 =	sadd.s32 $0x66800, s18;
	[sflag:s13] =	ssyncadd.s32 $0xFFFF8000  }
0x29: {  	[hbm4b:s17+s2] =	stream.linear.scatter [tilespmem:s8], [sflag:$0x3], $0x8000, $0x38;
	[tilespmem:$0x10400] =	vst v63  }
0x2a: {  	_ =	swait.ge [sflag:s3], $0x8000  }
0x2b: {  	s18 =	sadd.s32 $0xFFFFFFFF, s19;
	[sflag:s3] =	ssyncset.done $0x0  }
.LBB2_1:
0x2c: {  	p0 =	sne.s32 s18, $0x1;
	s18 =	sadd.s32 $0xFFFFFFFF, s18;
	[sflag:s3] =	ssyncadd.s32 $0xFFFF8000  }
0x2d: {  	[tilespmem:s2], [sflag:$0x3] =	stream.linear.gather [hbm4b:s4+s2], $0x400, $0x38;
	[tilespmem:$0x10400] =	vst v63  }
0x2e: {  	_ =	swait.ge [sflag:s3], $0x400  }
0x2f: {  	[sflag:s3] =	ssyncset.done $0x0  }
0x30: {  	[sflag:s3] =	ssyncadd.s32 $0xFFFFFC00  }
0x31: {  	[tilespmem:s7], [sflag:$0x1] =	stream.indirect.gather [hbm4b:s5+s6], $0x80, s2, s6, $0xb8;
	[tilespmem:$0x10400] =	vst v63  }
0x32: {  	_ = 	snop  }
0x33: {  	[tilespmem:s8], [sflag:$0x2] =	stream.indirect.gather [hbm4b:s5+s6], $0x80, s6, s6, $0xb8;
	[tilespmem:$0x10400] =	vst v63  }
0x34: {  	_ =	swait.ge [sflag:s9], $0x8000  }
0x35: {  	[sflag:s9] =	ssyncset.done $0x0  }
0x36: {  	[sflag:s9] =	ssyncadd.s32 $0xFFFF8000  }
0x37: {  	[hbm4b:s10+s2] =	stream.linear.scatter [tilespmem:s7], [sflag:$0x4], $0x8000, $0x38;
	[tilespmem:$0x10400] =	vst v63  }
0x38: {  	_ =	swait.ge [sflag:s11], $0x8000  }
0x39: {  	[sflag:s11] =	ssyncset.done $0x0  }
0x3a: {  	[sflag:s11] =	ssyncadd.s32 $0xFFFF8000  }
0x3b: {  	[tilespmem:s7], [sflag:$0x1] =	stream.indirect.gather [hbm4b:s5+s6], $0x80, s12, s6, $0xb8;
	[tilespmem:$0x10400] =	vst v63  }
0x3c: {  	_ =	swait.ge [sflag:s13], $0x8000  }
0x3d: {  	[sflag:s13] =	ssyncset.done $0x0  }
0x3e: {  	[sflag:s13] =	ssyncadd.s32 $0xFFFF8000  }
0x3f: {  	[hbm4b:s14+s2] =	stream.linear.scatter [tilespmem:s8], [sflag:$0x3], $0x8000, $0x38;
	[tilespmem:$0x10400] =	vst v63  }
0x40: {  	_ =	swait.ge [sflag:s3], $0x8000  }
0x41: {  	[sflag:s3] =	ssyncset.done $0x0  }
0x42: {  	[sflag:s3] =	ssyncadd.s32 $0xFFFF8000  }
0x43: {  	[tilespmem:s8], [sflag:$0x2] =	stream.indirect.gather [hbm4b:s5+s6], $0x80, s15, s6, $0xb8;
	[tilespmem:$0x10400] =	vst v63  }
0x44: {  	_ =	swait.ge [sflag:s9], $0x8000  }
0x45: {  	[sflag:s9] =	ssyncset.done $0x0  }
0x46: {  	[sflag:s9] =	ssyncadd.s32 $0xFFFF8000  }
0x47: {  	[hbm4b:s16+s2] =	stream.linear.scatter [tilespmem:s7], [sflag:$0x4], $0x8000, $0x38;
	[tilespmem:$0x10400] =	vst v63  }
0x48: {  	_ =	swait.ge [sflag:s11], $0x8000  }
0x49: {  	[sflag:s11] =	ssyncset.done $0x0  }
0x4a: {  	[sflag:s11] =	ssyncadd.s32 $0xFFFF8000  }
0x4b: {  	_ =	swait.ge [sflag:s13], $0x8000  }
.Ltmp1:
0x4c: {  	[sflag:s13] =	ssyncset.done $0x0;
	(pc) =	sbr.rel @p0 .LBB2_1-.Ltmp1, $4  }
0x4d: {  	[sflag:s13] =	ssyncadd.s32 $0xFFFF8000  }
0x4e: {  	[hbm4b:s17+s2] =	stream.linear.scatter [tilespmem:s8], [sflag:$0x3], $0x8000, $0x38;
	[tilespmem:$0x10400] =	vst v63  }
0x4f: {  	_ =	swait.ge [sflag:s3], $0x8000  }
0x50: {  	[sflag:s3] =	ssyncset.done $0x0  }
.LBB2_2:
0x51: {  	[sflag:s3] =	ssyncadd.s32 $0xFFFF8000  }
0x52: {  	_ =	sfence.sel $0x180000  }
0x53: {  	[bflag:$0x0] =	sbarrier.arrive $0xFFFF  }
0x54: {  	p0 =	sne.s32 s0, $0x0;
	_ =	strace $0x9000004D  }
0x55: {  	s0 =	sadd.s32 @!p0 $0x100000, s1;
	[bflag:$0x2] =	sbarrier.arrive $0xFFFF  }
0x56: {  	[sflag:s0] =	ssyncadd.tile.s32 @!p0 $0x1;
	_ =	shalt  }
.Lfunc_end2:
_tile_overlayer_lowered:
.L_overlay_start_2:
0x57: {  	(tag) =	ssettag $0x2  }
0x58: {  	s0 =	rddreg [dreg:$0x0];
	s2 =	stileid.u32  }
0x59: {  	s1 =	rddreg [dreg:$0x1];
	p0 =	sne.s32 s2, $0x0  }
0x5a: {  	s3 =	rddreg [dreg:$0x2];
	[bflag:$0x3] =	sbarrier.arrive $0xFFFF;
	s2 =	simm.s32 @!p0 $0x1C03  }
0x5b: {  	[timem:s3], [sflag:s2] =	dma.local @!p0 [hbm:s0], s1  }
0x5c: {  	s0 =	simm.s32 @!p0 $0x3  }
0x5d: {  	_ =	swait.ge @!p0 [sflag:s0], s1  }
0x5e: {  	s1 =	ssub.s32 @!p0 $0x0, s1;
	[sflag:s0] =	ssyncset.done @!p0 $0x0  }
0x5f: {  	[sflag:s0] =	ssyncadd.s32 @!p0 s1  }
0x60: {  	[bflag:$0x3] =	sbarrier.arrive $0xFFFF  }
0x61: {  	_ =	shalt  }

// kernel: kernel.8.cloned.1.call-start
scs
__scs_entry_jumppad:
0x0: {  	(pc) =	sbr.rel $0x88, $3  }
0x1: {  	(tag) =	ssettag $0x0;
	lr =	simm.s32 $0x1  }
0x2: {  	[smem:$0x3F91] =	sst lr;
	_ =	strace $0xD0000000  }
0x3: {  	_ = 	snop  }
0x4: {  	_ = 	snop  }
0x5: {  	_ = 	snop  }
0x6: {  	_ = 	snop  }
0x7: {  	_ = 	snop  }
__scs_overlays_trampoline_lowered:
0x8: {  	[smem:$0x3FA0] =	sst s0  }
0x9: {  	[smem:$0x3FA1] =	sst s1  }
0xa: {  	[smem:$0x3FA2] =	sst s2  }
0xb: {  	[smem:$0x3FA3] =	sst s3  }
0xc: {  	[smem:$0x3FA4] =	sst s4  }
0xd: {  	[smem:$0x3FA5] =	sst s5  }
0xe: {  	[smem:$0x3FA6] =	sst s6  }
0xf: {  	[smem:$0x3FA7] =	sst s7  }
0x10: {  	[smem:$0x3FA8] =	sst s8  }
0x11: {  	[smem:$0x3FA9] =	sst s9;
	s0 =	simm.s32 @!p0 $0x0  }
0x12: {  	s1 =	sld [smem:$0x3F8F];
	s0 =	simm.s32 @p0 $0x1  }
0x13: {  	[smem:$0x3FAA] =	sst s0;
	s0 =	simm.s32 @!p1 $0x0  }
0x14: {  	s2 =	sld [smem:$0x3F8E];
	s0 =	simm.s32 @p1 $0x1  }
0x15: {  	[smem:$0x3FAB] =	sst s0;
	s0 =	simm.s32 @!p2 $0x0  }
0x16: {  	s3 =	sld [smem:$0x3FDB];
	s0 =	simm.s32 @p2 $0x1  }
0x17: {  	s4 =	simm.s32 $0x1BF5;
	[smem:$0x3FAD] =	sst s0  }
0x18: {  	s0 =	sld [smem:$0x3F90];
	_ =	swait.ge [sflag:s4], $0x0  }
0x19: {  	s7 =	sld [smem:$0x3F91]  }
0x1a: {  	s8 =	sadd.s32 $0xFFFFE003, lr  }
0x1b: {  	s9 =	sadd.s32 $0xFFFFFEF7, lr;
	s5 =	simm.s32 $0xFFFFFFFF;
	p2 =	slt.u32 s8, $0xFFFFF086  }
0x1c: {  	p1 =	slt.u32 s9, $0xF7A;
	s5 =	simm.s32 @!p2 $0x0  }
0x1d: {  	s5 =	simm.s32 @p1 $0x1;
	p0 =	seq.s32 s7, s2  }
0x1e: {  	s7 =	smul.u32 @!p0 $0xF7A, s2;
	p2 =	seq.s32 @!p0 s5, $0x0  }
0x1f: {  	s9 =	smul.u32 $0xF7A, s1;
	s8 =	simm.s32 @!p0 $0x1BF5;
	p2 =	por !p2, p0  }
0x20: {  	[sflag:s8] =	ssyncset.s32 @!p0 $0xFFFFF086;
	s6 =	sadd.s32 @!p0 s3, s7;
	s7 =	simm.s32 @!p0 $0x108  }
0x21: {  	s3 =	sadd.s32 s3, s9;
	s6 =	sadd.s32 @!p0 $0x88, s6;
	s7 =	simm.s32 @p2 $0x1082  }
0x22: {  	[simem:s7], [sflag:s8] =	dma.local @!p0 [hbm:s6], $0xF7A  }
0x23: {  	s9 =	sor.u32 $0xD0000000, s2;
	s6 =	simm.s32 $0x108;
	_ =	swait.ge @!p0 [sflag:s8], $0x0  }
0x24: {  	s3 =	sadd.s32 $0x88, s3;
	s6 =	simm.s32 @!p1 $0x1082;
	[sflag:s4] =	ssyncset.s32 $0xFFFFF086  }
0x25: {  	[simem:s6], [sflag:s4] =	dma.local [hbm:s3], $0xF7A  }
0x26: {  	[smem:$0x3F91] =	sst s1;
	(tag) =	ssettag s2;
	_ =	strace s9  }
0x27: {  	s1 =	sld [smem:$0x3FA1]  }
0x28: {  	s2 =	sld [smem:$0x3FA2]  }
0x29: {  	s4 =	sld [smem:$0x3FA4]  }
0x2a: {  	p0 =	seq.s32 s5, $0x0;
	s5 =	sld [smem:$0x3FA5]  }
0x2b: {  	s6 =	sld [smem:$0x3FA6]  }
0x2c: {  	s7 =	sld [smem:$0x3FA7]  }
0x2d: {  	s3 =	simm.s32 $0x108;
	s8 =	sld [smem:$0x3FA8]  }
0x2e: {  	s3 =	simm.s32 @!p0 $0x1082;
	s9 =	sld [smem:$0x3FA9]  }
0x2f: {  	lr =	sadd.s32 s0, s3;
	s0 =	sld [smem:$0x3FA0]  }
0x30: {  	s3 =	sld [smem:$0x3FA3]  }
0x31: {  	[smem:$0x3FAC] =	sst s10  }
0x32: {  	s10 =	sld [smem:$0x3FAA];
	_ =	sdelay $0x3  }
0x33: {  	p0 =	seq.s32 s10, $0x1;
	s10 =	sld [smem:$0x3FAC];
	_ =	sdelay $0x3  }
0x34: {  	[smem:$0x3FAC] =	sst s10  }
0x35: {  	s10 =	sld [smem:$0x3FAB];
	_ =	sdelay $0x3  }
0x36: {  	p1 =	seq.s32 s10, $0x1;
	s10 =	sld [smem:$0x3FAC];
	_ =	sdelay $0x3  }
0x37: {  	[smem:$0x3FAC] =	sst s10  }
0x38: {  	s10 =	sld [smem:$0x3FAD]  }
0x39: {  	_ = 	snop;
	(pc) =	sbr.ind lr, $3  }
0x3a: {  	_ = 	snop  }
0x3b: {  	_ = 	snop  }
0x3c: {  	p2 =	seq.s32 s10, $0x1;
	s10 =	sld [smem:$0x3FAC]  }
0x3d: {  	_ =	shalt  }
0x3e: {  	_ =	shalt  }
0x3f: {  	_ =	shalt  }
0x40: {  	_ =	shalt  }
0x41: {  	_ =	shalt  }
0x42: {  	_ =	shalt  }
0x43: {  	_ =	shalt  }
0x44: {  	_ =	shalt  }
0x45: {  	_ =	shalt  }
0x46: {  	_ =	shalt  }
0x47: {  	_ =	shalt  }
0x48: {  	_ =	shalt  }
0x49: {  	_ =	shalt  }
0x4a: {  	_ =	shalt  }
0x4b: {  	_ =	shalt  }
0x4c: {  	_ =	shalt  }
0x4d: {  	_ =	shalt  }
0x4e: {  	_ =	shalt  }
0x4f: {  	_ =	shalt  }
0x50: {  	_ =	shalt  }
0x51: {  	_ =	shalt  }
0x52: {  	_ =	shalt  }
0x53: {  	_ =	shalt  }
0x54: {  	_ =	shalt  }
0x55: {  	_ =	shalt  }
0x56: {  	_ =	shalt  }
0x57: {  	_ =	shalt  }
0x58: {  	_ =	shalt  }
0x59: {  	_ =	shalt  }
0x5a: {  	_ =	shalt  }
0x5b: {  	_ =	shalt  }
0x5c: {  	_ =	shalt  }
0x5d: {  	_ =	shalt  }
0x5e: {  	_ =	shalt  }
0x5f: {  	_ =	shalt  }
0x60: {  	_ =	shalt  }
0x61: {  	_ =	shalt  }
0x62: {  	_ =	shalt  }
0x63: {  	_ =	shalt  }
0x64: {  	_ =	shalt  }
0x65: {  	_ =	shalt  }
0x66: {  	_ =	shalt  }
0x67: {  	_ =	shalt  }
0x68: {  	_ =	shalt  }
0x69: {  	_ =	shalt  }
0x6a: {  	_ =	shalt  }
0x6b: {  	_ =	shalt  }
0x6c: {  	_ =	shalt  }
0x6d: {  	_ =	shalt  }
0x6e: {  	_ =	shalt  }
0x6f: {  	_ =	shalt  }
0x70: {  	_ =	shalt  }
0x71: {  	_ =	shalt  }
0x72: {  	_ =	shalt  }
0x73: {  	_ =	shalt  }
0x74: {  	_ =	shalt  }
0x75: {  	_ =	shalt  }
0x76: {  	_ =	shalt  }
0x77: {  	_ =	shalt  }
0x78: {  	_ =	shalt  }
0x79: {  	_ =	shalt  }
0x7a: {  	_ =	shalt  }
0x7b: {  	_ =	shalt  }
0x7c: {  	_ =	shalt  }
0x7d: {  	_ =	shalt  }
0x7e: {  	_ =	shalt  }
0x7f: {  	_ =	shalt  }
0x80: {  	_ =	shalt  }
0x81: {  	_ =	shalt  }
0x82: {  	_ =	shalt  }
0x83: {  	_ =	shalt  }
0x84: {  	_ =	shalt  }
0x85: {  	_ =	shalt  }
0x86: {  	_ =	shalt  }
0x87: {  	_ =	shalt  }
.Lfunc_end0:
.L_simem_size_0:
called_computation_lowered:
.L_overlay_start_0:
0x88: {  	s2 =	sld [smem:$0x3FD9]  }
0x89: {  	s3 =	sld [smem:$0x3FFE];
	_ =	sdelay $0x1  }
0x8a: {  	s1 =	srdreg.scid  }
0x8b: {  	s0 =	sand.u32 $0x1, s1  }
0x8c: {  	s16 =	sshll.u32 s0, $0xA;
	s2 =	sadd.s32 s3, s2  }
0x8d: {  	s2 =	sadd.s32 s2, s16  }
0x8e: {  	[smem:$0x3FB8] =	sst s2  }
0x8f: {  	_ = 	snop  }
0x90: {  	(tm) =	ssettm $0x1  }
0x91: {  	s17 =	sld [smem:$0x3FFB];
	_ =	sdelay $0x3  }
0x92: {  	_ =	strace s17  }
0x93: {  	s2 =	sld [smem:$0x3FFC];
	_ =	sdelay $0x3  }
0x94: {  	_ =	strace s2  }
0x95: {  	s2 =	sld [smem:$0x3FFD];
	_ =	sdelay $0x3  }
0x96: {  	_ =	strace s2  }
0x97: {  	_ =	strace $0x8FFFFFFF  }
0x98: {  	s18 =	sld [smem:$0x3FDB];
	_ =	sdelay $0x1  }
0x99: {  	s19 =	simm.s32 $_scs_section_size  }
0x9a: {  	s4 =	simm.s32 $_size__tile_overlayer_lowered;
	s5 =	simm.s32 $_tile_overlayer_lowered  }
0x9b: {  	s22 =	simm.s32 $0x1BFF;
	s21 =	sshll.u32 s5, $0x1;
	s2 =	sadd.s32 s19, s18  }
0x9c: {  	s6 =	simm.s32 $0x0;
	s20 =	sshll.u32 s4, $0x1;
	s4 =	sadd.s32 s21, s2  }
0x9d: {  	[timem:s6], [sflag:s22] =	dma.local [hbm:s4], s20  }
0x9e: {  	_ =	swait.ge [sflag:s22], s20  }
0x9f: {  	s3 =	ssub.s32 $0x0, s20;
	[sflag:s22] =	ssyncset.done $0x0  }
0xa0: {  	[sflag:s22] =	ssyncadd.s32 s3;
	_ =	sdelay $0x1  }
0xa1: {  	s23 =	simm.s32 $0x1B8B  }
0xa2: {  	_ =	swait.ge [sflag:s23], $0x1  }
0xa3: {  	[sflag:s23] =	ssyncset.done $0x0  }
0xa4: {  	s25 =	simm.s32 $0x1B8E;
	s24 =	sld [smem:$0x3FFE];
	[sflag:s23] =	ssyncadd.s32 $0xFFFFFFFF  }
0xa5: {  	s26 =	simm.s32 $execute0_lowered;
	[smem:$0x3FD2] =	sst s25  }
0xa6: {  	s4 =	sshll.u32 s26, $0x1;
	_ =	strace $0x80000046;
	[dreg:$0x1] =	wrdreg $0xFFFFFFFF  }
0xa7: {  	s28 =	simm.s32 $_size_execute0_lowered;
	s2 =	sadd.s32 s2, s4;
	[dreg:$0x0] =	wrdreg $0x0  }
0xa8: {  	s4 =	sshll.u32 s28, $0x1;
	[dreg:$0x2] =	wrdreg s2  }
0xa9: {  	[dreg:$0x3] =	wrdreg s4  }
0xaa: {  	[dreg:$0x4] =	wrdreg $0xC0  }
0xab: {  	_ =	task [dreg:s6], $0x5FFFF  }
0xac: {  	[dreg:$0x1] =	wrdreg $0xFFFFFFFF  }
0xad: {  	[dreg:$0x0] =	wrdreg $0x60  }
0xae: {  	[dreg:$0x2] =	wrdreg s24  }
0xaf: {  	[dreg:$0x3] =	wrdreg $0x9  }
0xb0: {  	_ =	task.clear_ibuf [dreg:s6], $0x4FFFF;
	_ =	strace $0x90000046  }
0xb1: {  	s29 =	simm.s32 $0x9;
	_ =	strace $0x80000048  }
0xb2: {  	_ =	swait.ge [sflag:s29], $0x1  }
0xb3: {  	[sflag:s29] =	ssyncadd.s32 $0xFFFFFFFF  }
0xb4: {  	_ =	strace $0x90000048  }
0xb5: {  	_ =	sfence  }
0xb6: {  	s30 =	sld [smem:$0x0];
	_ =	sdelay $0x2  }
0xb7: {  	s31 =	sshll.u32 s1, $0xD;
	s1 =	sshrl.u32 s1, $0x2  }
0xb8: {  	s3 =	sand.u32 $0x4000, s31;
	s1 =	sadd.s32 s1, s30  }
0xb9: {  	s0 =	sor.u32 s3, s0;
	s1 =	sshll.u32 s1, $0x11  }
0xba: {  	s0 =	sor.u32 s1, s0  }
0xbb: {  	s0 =	sadd.s32 $0x8F2B, s0  }
0xbc: {  	[sflag:s0] =	ssyncadd.remote.s32 $0x1  }
0xbd: {  	_ =	sfence.sel $0xFFFF  }
0xbe: {  	[dreg:$0x0] =	wrdreg $0xFFFFFFFF;
	(pc) =	sbr.abs _section_cstart, $3  }
0xbf: {  	[dreg:$0x1] =	wrdreg $0xFFFFFFFF  }
0xc0: {  	_ =	task.clear_ibuf [dreg:s6], $0x2FFFF;
	_ =	strace $0x9FFFFFFF  }
0xc1: {  	(tm) =	ssettm $0x7FFFFFFF  }
tec
execute0_lowered:
.L_overlay_start_1:
0x0: {  	(tag) =	ssettag $0x1  }
0x1: {  	s4 =	rddreg [dreg:$0x0]  }
0x2: {  	s0 =	rddreg [dreg:$0x1]  }
0x3: {  	s3 =	srdreg.scid;
	s1 =	stileid.u32;
	s2 =	simm.s32 $0x0  }
0x4: {  	s11 =	simm.s32 $0x1B000;
	s5 =	sand.u32 $0x1, s3;
	s30 =	sshll.u32 s1, $0x1  }
0x5: {  	s12 =	simm.s32 $0x0;
	s10 =	smul.u32 $0x500, s1;
	s6 =	sor.u32 s5, s30  }
0x6: {  	[smem:$0x7FF] =	sst s2;
	s8 =	ssub.s32 $0x2, s5;
	s7 =	smul.u32 $0x500, s6  }
0x7: {  	s3 =	sadd.s32 $0xF200, s4;
	s6 =	smul.u32 $0x280, s6;
	s9 =	sshrl.u32 s8, $0x1  }
0x8: {  	_ =	strace $0x80000047;
	s31 =	smul.u32 $0x280, s5;
	s8 =	ssub.s32 s8, s9  }
0x9: {  	s9 =	simm.s32 $0x18800;
	s7 =	sadd.s32 s7, s4;
	s6 =	sadd.s32 s6, s4  }
0xa: {  	s4 =	sadd.s32 $0x5200, s7;
	s5 =	sadd.s32 $0x15600, s6;
	s6 =	smax.u32 s8, $0x1  }
0xb: {  	v0 =	vlaneseq.u32;
	v1 =	vimm.s32 $0x7;
	v2 =	vimm.s32 $0x0;
	s7 =	sadd.s32 s31, s10;
	s8 =	simm.s32 $0x1;
	s10 =	simm.s32 $0x1C480  }
.LBB2_1:
0xc: {  	[tilespmem:s2], [sflag:$0x1] =	stream.linear.gather [hbm4b:s3+s2], $0x18800, $0x38;
	[tilespmem:$0x1C500] =	vst v63  }
0xd: {  	_ =	swait.ge [sflag:s8], $0x18800  }
0xe: {  	[sflag:s8] =	ssyncset.done $0x0  }
0xf: {  	[sflag:s8] =	ssyncadd.s32 $0xFFFE7800  }
0x10: {  	[tilespmem:s9], [sflag:$0x1] =	stream.linear.gather [hbm4b:s4+s2], $0x2800, $0x38;
	[tilespmem:$0x1C500] =	vst v63  }
0x11: {  	_ =	swait.ge [sflag:s8], $0x2800  }
0x12: {  	[sflag:s8] =	ssyncset.done $0x0  }
0x13: {  	s13 =	simm.s32 $0x0;
	[sflag:s8] =	ssyncadd.s32 $0xFFFFD800  }
0x14: {  	v3 =	vld [tilespmem:s13+$0x18800];
	_ =	sdelay $0x1  }
0x15: {  	v4 =	vmov s7;
	_ =	sdelay $0x4  }
0x16: {  	v4 =	vld.idx.msk [tilespmem:v4+s2+$0x0], $0xffff  }
0x17: {  	v5 =	vld.idx.msk [tilespmem:v3+s2+$0x0], $0xffff;
	_ =	sdelay $0x4  }
0x18: {  	v4 =	vsub.f32 v5, v4;
	_ =	sdelay $0x1  }
0x19: {  	v4 =	vand.u32 $0x7FFFFFFF, v4  }
0x1a: {  	v4 =	vsub.f32 $1.000000000e+00, v4;
	_ =	sdelay $0x1  }
0x1b: {  	(xrf1) =	vsort.dscd.msk.f32 $0xffff, v4, v0;
	_ =	sdelay $0xd  }
0x1c: {  	v62, _, _ =	vpop (xrf1)  }
0x1d: {  	[tilespmem:$0x1C480] =	vst v62  }
0x1e: {  	v5 =	vld.idx.msk [tilespmem:v1+s10+$0x0], $0xffff;
	_ =	sdelay $0x4  }
0x1f: {  	vm0 =	veq.f32 v4, v5  }
0x20: {  	v6 =	vsel vm0, $0x1, v2  }
0x21: {  	(xrf0) =	vadd.scan.msk.s32 $0xffff, v6;
	_ =	sdelay $0x2  }
0x22: {  	vm1 =	vgt.f32 v4, v5  }
0x23: {  	v4 =	vmpcnt.ones.xlane vm1;
	_ =	sdelay $0x1  }
0x24: {  	v4 =	vsub.s32 $0x8, v4;
	v63, _, _ =	vpop (xrf0)  }
0x25: {  	vm2 =	vle.s32 v63, v4  }
0x26: {  	vm0 =	vmand vm0, vm2  }
0x27: {  	s16 =	simm.s32 $0x10;
	vm0 =	vmor vm1, vm0  }
0x28: {  	s15 =	simm.s32 $0x80;
	s14 =	smov.u32 s7;
	s13 =	simm.s32 $0x1B000;
	[tilespmem:s11+$0x0] =	vst.msk vm0, v3  }
.LBB2_2:
0x29: {  	p0 =	sne.s32 s15, $0x9FC0;
	v3 =	vld [tilespmem:s16+$0x18800]  }
0x2a: {  	s14 =	sadd.s32 $0x1, s14  }
0x2b: {  	v4 =	vmov s14;
	_ =	sdelay $0x4  }
0x2c: {  	v4 =	vld.idx.msk [tilespmem:v4+s2+$0x0], $0xffff  }
0x2d: {  	v5 =	vld.idx.msk [tilespmem:v3+s2+$0x0], $0xffff;
	_ =	sdelay $0x5  }
0x2e: {  	v4 =	vsub.f32 v5, v4;
	_ =	sdelay $0x1  }
0x2f: {  	v4 =	vand.u32 $0x7FFFFFFF, v4  }
0x30: {  	v4 =	vsub.f32 $1.000000000e+00, v4;
	_ =	sdelay $0x1  }
0x31: {  	(xrf1) =	vsort.dscd.msk.f32 $0xffff, v4, v0;
	_ =	sdelay $0xd  }
0x32: {  	v5, _, _ =	vpop (xrf1)  }
0x33: {  	[tilespmem:$0x1C480] =	vst v5  }
0x34: {  	v5 =	vld.idx.msk [tilespmem:v1+s10+$0x0], $0xffff;
	_ =	sdelay $0x5  }
0x35: {  	vm0 =	veq.f32 v4, v5  }
0x36: {  	v6 =	vsel vm0, $0x1, v2  }
0x37: {  	(xrf0) =	vadd.scan.msk.s32 $0xffff, v6;
	_ =	sdelay $0x2  }
0x38: {  	vm1 =	vgt.f32 v4, v5  }
0x39: {  	v4 =	vmpcnt.ones.xlane vm1;
	_ =	sdelay $0x1  }
.Ltmp0:
0x3a: {  	v4 =	vsub.s32 $0x8, v4;
	v5, _, _ =	vpop (xrf0);
	(pc) =	sbr.rel @p0 .LBB2_2-.Ltmp0, $4  }
0x3b: {  	vm2 =	vle.s32 v5, v4  }
0x3c: {  	vm0 =	vmand vm0, vm2  }
0x3d: {  	s13 =	sadd.s32 $0x8, s13;
	vm0 =	vmor vm1, vm0  }
0x3e: {  	s16 =	sshra.s32 s15, $0x2;
	s15 =	sadd.s32 $0x40, s15;
	[tilespmem:s13+$0x0] =	vst.msk vm0, v3  }
0x3f: {  	v3 =	vld [tilespmem:s16+$0x18800]  }
0x40: {  	s14 =	sadd.s32 $0x1, s14  }
0x41: {  	v4 =	vmov s14;
	_ =	sdelay $0x4  }
0x42: {  	v4 =	vld.idx.msk [tilespmem:v4+s2+$0x0], $0xffff  }
0x43: {  	v5 =	vld.idx.msk [tilespmem:v3+s2+$0x0], $0xffff;
	_ =	sdelay $0x4  }
0x44: {  	v4 =	vsub.f32 v5, v4;
	_ =	sdelay $0x1  }
0x45: {  	v4 =	vand.u32 $0x7FFFFFFF, v4  }
0x46: {  	v4 =	vsub.f32 $1.000000000e+00, v4;
	_ =	sdelay $0x1  }
0x47: {  	(xrf1) =	vsort.dscd.msk.f32 $0xffff, v4, v0;
	_ =	sdelay $0xd  }
0x48: {  	v62, _, _ =	vpop (xrf1)  }
0x49: {  	[tilespmem:$0x1C480] =	vst v62  }
0x4a: {  	v5 =	vld.idx.msk [tilespmem:v1+s10+$0x0], $0xffff;
	_ =	sdelay $0x4  }
0x4b: {  	vm0 =	veq.f32 v4, v5  }
0x4c: {  	v6 =	vsel vm0, $0x1, v2  }
0x4d: {  	(xrf0) =	vadd.scan.msk.s32 $0xffff, v6;
	_ =	sdelay $0x2  }
0x4e: {  	vm1 =	vgt.f32 v4, v5  }
0x4f: {  	v4 =	vmpcnt.ones.xlane vm1;
	_ =	sdelay $0x1  }
0x50: {  	v4 =	vsub.s32 $0x8, v4;
	v63, _, _ =	vpop (xrf0)  }
0x51: {  	vm2 =	vle.s32 v63, v4  }
0x52: {  	s12 =	sadd.s32 $0x1, s12;
	vm0 =	vmand vm0, vm2  }
0x53: {  	s13 =	sadd.s32 $0x8, s13;
	p0 =	sne.s32 s12, s6;
	vm0 =	vmor vm1, vm0  }
.Ltmp1:
0x54: {  	[tilespmem:s13+$0x0] =	vst.msk vm0, v3;
	(pc) =	sbr.rel @p0 .LBB2_1-.Ltmp1, $4  }
0x55: {  	[hbm4b:s5+s2] =	stream.linear.scatter [tilespmem:s11], [sflag:$0x1], $0x1400, $0x38;
	[tilespmem:$0x1C500] =	vst v63  }
0x56: {  	_ =	swait.ge [sflag:s8], $0x1400  }
0x57: {  	[sflag:s8] =	ssyncset.done $0x0  }
0x58: {  	[sflag:s8] =	ssyncadd.s32 $0xFFFFEC00  }
0x59: {  	_ =	sfence.sel $0x180000  }
0x5a: {  	[bflag:$0x0] =	sbarrier.arrive $0xFFFF  }
0x5b: {  	p0 =	sne.s32 s1, $0x0;
	_ =	strace $0x90000047  }
0x5c: {  	s0 =	sadd.s32 @!p0 $0x100000, s0;
	[bflag:$0x2] =	sbarrier.arrive $0xFFFF  }
0x5d: {  	[sflag:s0] =	ssyncadd.tile.s32 @!p0 $0x1;
	_ =	shalt  }
.Lfunc_end2:
_tile_overlayer_lowered:
.L_overlay_start_2:
0x5e: {  	(tag) =	ssettag $0x2  }
0x5f: {  	s0 =	rddreg [dreg:$0x0];
	s2 =	stileid.u32  }
0x60: {  	s1 =	rddreg [dreg:$0x1];
	p0 =	sne.s32 s2, $0x0  }
0x61: {  	s3 =	rddreg [dreg:$0x2];
	[bflag:$0x3] =	sbarrier.arrive $0xFFFF;
	s2 =	simm.s32 @!p0 $0x1C01  }
0x62: {  	[timem:s3], [sflag:s2] =	dma.local @!p0 [hbm:s0], s1  }
0x63: {  	s0 =	simm.s32 @!p0 $0x1  }
0x64: {  	_ =	swait.ge @!p0 [sflag:s0], s1  }
0x65: {  	s1 =	ssub.s32 @!p0 $0x0, s1;
	[sflag:s0] =	ssyncset.done @!p0 $0x0  }
0x66: {  	[sflag:s0] =	ssyncadd.s32 @!p0 s1  }
0x67: {  	[bflag:$0x3] =	sbarrier.arrive $0xFFFF  }
0x68: {  	_ =	shalt  }

</sc_bundles>
